<compile_context>
chip_gen: v7x
topology: tpu7x:2x2x1
jax: 0.10.2.dev20260603
libtpu: 0.0.44.dev20260713+nightly
codegen_flags: <defaults>
</compile_context>

<pallas_src>
import dataclasses
import functools

import jax
import jax.numpy as jnp
from jax import lax
from jax.experimental import pallas as pl
from jax.experimental.pallas import tpu as pltpu
from jax.experimental.pallas import tpu_sc as plsc

N = 10000
E = 320000
D_IN = 128
D_HID = 128
D_OUT = 64

NC = 2
NS = 16
L = 16
NW = NC * NS
EPT = E // NW
B = 80
NB = EPT // B
RPS = 624
TAIL0 = NS * RPS
TAILN = N - TAIL0


def _make_spmm(D):
    mesh = plsc.VectorSubcoreMesh(core_axis_name="c", subcore_axis_name="s")
    cp = pltpu.CompilerParams()
    if "needs_layout_passes" in pltpu.CompilerParams.__dataclass_fields__:
        cp = dataclasses.replace(cp, needs_layout_passes=False)
    if D % 128 != 0 and "use_tc_tiling_on_sc" in pltpu.CompilerParams.__dataclass_fields__:
        cp = dataclasses.replace(cp, use_tc_tiling_on_sc=False)

    @functools.partial(
        pl.kernel,
        out_type=jax.ShapeDtypeStruct((NC, N, D), jnp.float32),
        mesh=mesh,
        compiler_params=cp,
        scratch_types=[
            pltpu.VMEM((EPT,), jnp.int32),
            pltpu.VMEM((EPT,), jnp.int32),
            pltpu.VMEM((EPT,), jnp.float32),
            pltpu.VMEM((B,), jnp.int32),
            pltpu.VMEM((B,), jnp.int32),
            pltpu.VMEM((B, D), jnp.float32),
            pltpu.VMEM((B, D), jnp.float32),
            pltpu.VMEM_SHARED((N, D), jnp.float32),
            pltpu.SemaphoreType.DMA,
            pltpu.SemaphoreType.DMA,
        ],
    )
    def spmm(h_hbm, src_hbm, dst_hbm, ev_hbm, z_hbm, out_hbm,
             src_v, dst_v, ev_v, dst_a, dst_b, rows_a, rows_b,
             acc, sem_a, sem_b):
        cid = lax.axis_index("c")
        sid = lax.axis_index("s")
        wid = cid * NS + sid

        pltpu.sync_copy(src_hbm.at[pl.ds(wid * EPT, EPT)], src_v)
        pltpu.sync_copy(dst_hbm.at[pl.ds(wid * EPT, EPT)], dst_v)
        pltpu.sync_copy(ev_hbm.at[pl.ds(wid * EPT, EPT)], ev_v)

        pltpu.sync_copy(z_hbm, acc.at[pl.ds(sid * RPS, RPS)])

        @pl.when(sid == NS - 1)
        def _():
            pltpu.sync_copy(z_hbm.at[pl.ds(0, TAILN)],
                            acc.at[pl.ds(TAIL0, TAILN)])

        plsc.subcore_barrier()

        def fire(r, buf, sem):
            pltpu.async_copy(h_hbm.at[src_v.at[pl.ds(r * B, B)]], buf, sem)

        def wait(buf, sem):
            pltpu.make_async_copy(h_hbm.at[src_v.at[pl.ds(0, B)]],
                                  buf, sem).wait()

        def scale(r, buf):
            @plsc.parallel_loop(0, B, unroll=4)
            def _(i):
                evb = plsc.load_gather(ev_v, [lax.broadcast(r * B + i, (L,))])
                for j in range(D // L):
                    sl = pl.ds(j * L, L)
                    buf[i, sl] = buf[i, sl] * evb

        def scatter(r, dst_blk, buf):
            @plsc.parallel_loop(0, B, step=L, unroll=5)
            def _(i):
                dst_blk[pl.ds(i, L)] = dst_v[pl.ds(r * B + i, L)]

            pltpu.sync_copy(buf, acc.at[dst_blk], add=True)

        fire(0, rows_a, sem_a)

        @pl.loop(0, NB - 1, step=2)
        def _(r):
            fire(r + 1, rows_b, sem_b)
            wait(rows_a, sem_a)
            scale(r, rows_a)
            scatter(r, dst_a, rows_a)
            fire(r + 2, rows_a, sem_a)
            wait(rows_b, sem_b)
            scale(r + 1, rows_b)
            scatter(r + 1, dst_b, rows_b)

        wait(rows_a, sem_a)
        scale(NB - 1, rows_a)
        scatter(NB - 1, dst_a, rows_a)

        plsc.subcore_barrier()
        pltpu.sync_copy(acc.at[pl.ds(sid * RPS, RPS)],
                        out_hbm.at[cid].at[pl.ds(sid * RPS, RPS)])

        @pl.when(sid == NS - 1)
        def _():
            pltpu.sync_copy(acc.at[pl.ds(TAIL0, TAILN)],
                            out_hbm.at[cid].at[pl.ds(TAIL0, TAILN)])

    return spmm


_spmm_128 = _make_spmm(D_HID)
_spmm_64 = _make_spmm(D_OUT)


def _mm1_body(x_ref, w_ref, o_ref):
    o_ref[...] = jnp.dot(x_ref[...], w_ref[...],
                         preferred_element_type=jnp.float32)


def _mid_body(p_ref, b1_ref, w2_ref, o_ref):
    h1 = jnp.maximum(p_ref[0] + p_ref[1] + b1_ref[...], 0.0)
    o_ref[...] = jnp.dot(h1, w2_ref[...], preferred_element_type=jnp.float32)


def _final_body(q_ref, b2_ref, o_ref):
    o_ref[...] = q_ref[0] + q_ref[1] + b2_ref[...]


def kernel(x, edge_index, edge_vals, w1, b1, w2, b2):
    src = edge_index[0]
    dst = edge_index[1]
    ev2 = edge_vals
    z128 = jnp.zeros((RPS, D_HID), jnp.float32)
    z64 = jnp.zeros((RPS, D_OUT), jnp.float32)

    h = pl.pallas_call(
        _mm1_body,
        out_shape=jax.ShapeDtypeStruct((N, D_HID), jnp.float32),
    )(x, w1)

    p = _spmm_128(h, src, dst, ev2, z128)

    h2 = pl.pallas_call(
        _mid_body,
        out_shape=jax.ShapeDtypeStruct((N, D_OUT), jnp.float32),
    )(p, b1, w2)

    q = _spmm_64(h2, src, dst, ev2, z64)

    out = pl.pallas_call(
        _final_body,
        out_shape=jax.ShapeDtypeStruct((N, D_OUT), jnp.float32),
    )(q, b2)
    return out

# --- scband reference (transcript-rebuilt; emitter-appended) ---
"""Pipeline reference for scband-gcn-27178553049560 (READ-ONLY COPY).

The authoritative reference and input builder live on the scoring server;
editing this copy changes nothing except your own understanding.
"""

import jax, jax.numpy as jnp
import numpy as np

N = 10000
E = 320000
D_IN = 128
D_HID = 128
D_OUT = 64


def _xavier_uniform(key, shape):
    fan_in, fan_out = shape[0], shape[1]
    limit = float(np.sqrt(6.0 / (fan_in + fan_out)))
    return jax.random.uniform(key, shape, minval=-limit, maxval=limit, dtype=jnp.float32)


def setup_inputs(seed: int = 0) -> dict:
    key = jax.random.key(seed)
    ks = jax.random.split(key, 6)
    x = jax.random.normal(ks[0], (N, D_IN), dtype=jnp.float32)
    edge_index = jax.random.randint(ks[1], (2, E), 0, N, dtype=jnp.int32)
    edge_vals = jax.random.uniform(ks[2], (E,), dtype=jnp.float32)
    w1 = _xavier_uniform(ks[3], (D_IN, D_HID))
    w2 = _xavier_uniform(ks[4], (D_HID, D_OUT))
    b1 = jnp.zeros((D_HID,), dtype=jnp.float32)
    b2 = jnp.zeros((D_OUT,), dtype=jnp.float32)
    return {"x": x, "edge_index": edge_index, "edge_vals": edge_vals,
            "w1": w1, "b1": b1, "w2": w2, "b2": b2}


def reference(x, edge_index, edge_vals, w1, b1, w2, b2):
    # adj is a sparse [N, N] matrix in COO form: adj[dst, src] = edge_vals[e].
    # th.mm(adj, h) == scatter-add over edges: out[dst] += edge_vals[e] * h[src].
    src = edge_index[0]
    dst = edge_index[1]

    def spmm(h):
        gathered = edge_vals[:, None] * jnp.take(h, src, axis=0)
        return jax.ops.segment_sum(gathered, dst, num_segments=N)

    # training dropout is identity (dropout=0.0), so sparse_dropout / nn.Dropout are no-ops
    h = x @ w1
    h1 = spmm(h)
    h1 = jax.nn.relu(h1 + b1)
    h2 = h1 @ w2
    out = spmm(h2) + b2
    return out

if __name__ == "__main__":
    import jax
    _d = setup_inputs()
    print(jax.jit(kernel)(*tuple(_d.values())))

</pallas_src>

<mosaic_0001>
#map = affine_map<(d0, d1) -> (0, 0)>
#map1 = affine_map<(d0, d1) -> (0)>
#map2 = affine_map<(d0, d1) -> (0, 0, 0)>
module attributes {stable_mosaic.version = 14 : i64} {
  func.func @spmm(%arg0: i32, %arg1: i32, %arg2: memref<10000x128xf32, #tpu.memory_space<hbm>>, %arg3: memref<320000xi32, #tpu.memory_space<hbm>>, %arg4: memref<320000xi32, #tpu.memory_space<hbm>>, %arg5: memref<320000xf32, #tpu.memory_space<hbm>>, %arg6: memref<624x128xf32, #tpu.memory_space<hbm>>, %arg7: memref<2x10000x128xf32, #tpu.memory_space<hbm>>, %arg8: memref<10000xi32, #tpu.memory_space<vmem>>, %arg9: memref<10000xi32, #tpu.memory_space<vmem>>, %arg10: memref<10000xf32, #tpu.memory_space<vmem>>, %arg11: memref<80xi32, #tpu.memory_space<vmem>>, %arg12: memref<80xi32, #tpu.memory_space<vmem>>, %arg13: memref<80x128xf32, #tpu.memory_space<vmem>>, %arg14: memref<80x128xf32, #tpu.memory_space<vmem>>, %arg15: memref<10000x128xf32, #tpu.memory_space<vmem_shared>>, %arg16: memref<!tpu.dma_semaphore, #tpu.memory_space<semaphore_mem>>, %arg17: memref<!tpu.dma_semaphore, #tpu.memory_space<semaphore_mem>>) attributes {dimension_semantics = [#tpu.dimension_semantics<core_parallel>, #tpu.dimension_semantics<subcore_parallel>], iteration_bounds = array<i64: 2, 16>, scalar_prefetch = 0 : i64, scratch_operands = 10 : i64, tpu.core_type = #tpu.core_type<sc_vector_subcore>, window_params = [{transform_indices = #map}, {transform_indices = #map1}, {transform_indices = #map1}, {transform_indices = #map1}, {transform_indices = #map}, {transform_indices = #map2}]} {
    %mul3A = arith.constant 16 : i32
    %mul3A_0 = arith.muli %arg0, %mul3A : i32
    %add3A = arith.addi %mul3A_0, %arg1 : i32
    %mul3A_1 = arith.constant 10000 : i32
    %mul3A_2 = arith.muli %add3A, %mul3A_1 : i32
    "tpu.region"() ({
      %run_scoped3A = tpu.sem_alloc : memref<!tpu.dma_semaphore, #tpu.memory_space<semaphore_mem>>
      %dma_start3A_38 = tpu.memref_slice %arg3[%mul3A_2] : memref<320000xi32, #tpu.memory_space<hbm>> -> memref<10000xi32, #tpu.memory_space<hbm>>
      %dma_start3A_39 = tpu.memref_slice %arg3[%mul3A_2] : memref<320000xi32, #tpu.memory_space<hbm>> -> memref<10000xi32, #tpu.memory_space<hbm>>
      tpu.enqueue_dma source(%dma_start3A_39 : memref<10000xi32, #tpu.memory_space<hbm>>) target(%arg8 : memref<10000xi32, #tpu.memory_space<vmem>>) target_semaphore(%run_scoped3A : memref<!tpu.dma_semaphore, #tpu.memory_space<semaphore_mem>>)
      %dma_wait3A_40 = tpu.memref_slice %arg3[%mul3A_2] : memref<320000xi32, #tpu.memory_space<hbm>> -> memref<10000xi32, #tpu.memory_space<hbm>>
      %dma_wait3A_41 = tpu.memref_slice %arg3[%mul3A_2] : memref<320000xi32, #tpu.memory_space<hbm>> -> memref<10000xi32, #tpu.memory_space<hbm>>
      tpu.wait_dma2 semaphore(%run_scoped3A : memref<!tpu.dma_semaphore, #tpu.memory_space<semaphore_mem>>) src(%dma_wait3A_41 : memref<10000xi32, #tpu.memory_space<hbm>>) dst(%arg8 : memref<10000xi32, #tpu.memory_space<vmem>>)
      tpu.yield
    }) : () -> ()
    %mul3A_3 = arith.constant 10000 : i32
    %mul3A_4 = arith.muli %add3A, %mul3A_3 : i32
    "tpu.region"() ({
      %run_scoped3A = tpu.sem_alloc : memref<!tpu.dma_semaphore, #tpu.memory_space<semaphore_mem>>
      %dma_start3A_38 = tpu.memref_slice %arg4[%mul3A_4] : memref<320000xi32, #tpu.memory_space<hbm>> -> memref<10000xi32, #tpu.memory_space<hbm>>
      %dma_start3A_39 = tpu.memref_slice %arg4[%mul3A_4] : memref<320000xi32, #tpu.memory_space<hbm>> -> memref<10000xi32, #tpu.memory_space<hbm>>
      tpu.enqueue_dma source(%dma_start3A_39 : memref<10000xi32, #tpu.memory_space<hbm>>) target(%arg9 : memref<10000xi32, #tpu.memory_space<vmem>>) target_semaphore(%run_scoped3A : memref<!tpu.dma_semaphore, #tpu.memory_space<semaphore_mem>>)
      %dma_wait3A_40 = tpu.memref_slice %arg4[%mul3A_4] : memref<320000xi32, #tpu.memory_space<hbm>> -> memref<10000xi32, #tpu.memory_space<hbm>>
      %dma_wait3A_41 = tpu.memref_slice %arg4[%mul3A_4] : memref<320000xi32, #tpu.memory_space<hbm>> -> memref<10000xi32, #tpu.memory_space<hbm>>
      tpu.wait_dma2 semaphore(%run_scoped3A : memref<!tpu.dma_semaphore, #tpu.memory_space<semaphore_mem>>) src(%dma_wait3A_41 : memref<10000xi32, #tpu.memory_space<hbm>>) dst(%arg9 : memref<10000xi32, #tpu.memory_space<vmem>>)
      tpu.yield
    }) : () -> ()
    %mul3A_5 = arith.constant 10000 : i32
    %mul3A_6 = arith.muli %add3A, %mul3A_5 : i32
    "tpu.region"() ({
      %run_scoped3A = tpu.sem_alloc : memref<!tpu.dma_semaphore, #tpu.memory_space<semaphore_mem>>
      %dma_start3A_38 = tpu.memref_slice %arg5[%mul3A_6] : memref<320000xf32, #tpu.memory_space<hbm>> -> memref<10000xf32, #tpu.memory_space<hbm>>
      %dma_start3A_39 = tpu.memref_slice %arg5[%mul3A_6] : memref<320000xf32, #tpu.memory_space<hbm>> -> memref<10000xf32, #tpu.memory_space<hbm>>
      tpu.enqueue_dma source(%dma_start3A_39 : memref<10000xf32, #tpu.memory_space<hbm>>) target(%arg10 : memref<10000xf32, #tpu.memory_space<vmem>>) target_semaphore(%run_scoped3A : memref<!tpu.dma_semaphore, #tpu.memory_space<semaphore_mem>>)
      %dma_wait3A_40 = tpu.memref_slice %arg5[%mul3A_6] : memref<320000xf32, #tpu.memory_space<hbm>> -> memref<10000xf32, #tpu.memory_space<hbm>>
      %dma_wait3A_41 = tpu.memref_slice %arg5[%mul3A_6] : memref<320000xf32, #tpu.memory_space<hbm>> -> memref<10000xf32, #tpu.memory_space<hbm>>
      tpu.wait_dma2 semaphore(%run_scoped3A : memref<!tpu.dma_semaphore, #tpu.memory_space<semaphore_mem>>) src(%dma_wait3A_41 : memref<10000xf32, #tpu.memory_space<hbm>>) dst(%arg10 : memref<10000xf32, #tpu.memory_space<vmem>>)
      tpu.yield
    }) : () -> ()
    %mul3A_7 = arith.constant 624 : i32
    %mul3A_8 = arith.muli %arg1, %mul3A_7 : i32
    "tpu.region"() ({
      %run_scoped3A = tpu.sem_alloc : memref<!tpu.dma_semaphore, #tpu.memory_space<semaphore_mem>>
      %dma_start3A_38 = arith.constant 0 : i32
      %dma_start3A_39 = tpu.memref_slice %arg15[%mul3A_8, %dma_start3A_38] : memref<10000x128xf32, #tpu.memory_space<vmem_shared>> -> memref<624x128xf32, #tpu.memory_space<vmem_shared>>
      tpu.enqueue_dma source(%arg6 : memref<624x128xf32, #tpu.memory_space<hbm>>) target(%dma_start3A_39 : memref<624x128xf32, #tpu.memory_space<vmem_shared>>) target_semaphore(%run_scoped3A : memref<!tpu.dma_semaphore, #tpu.memory_space<semaphore_mem>>)
      %dma_wait3A_40 = arith.constant 0 : i32
      %dma_wait3A_41 = tpu.memref_slice %arg15[%mul3A_8, %dma_wait3A_40] : memref<10000x128xf32, #tpu.memory_space<vmem_shared>> -> memref<624x128xf32, #tpu.memory_space<vmem_shared>>
      tpu.wait_dma2 semaphore(%run_scoped3A : memref<!tpu.dma_semaphore, #tpu.memory_space<semaphore_mem>>) src(%arg6 : memref<624x128xf32, #tpu.memory_space<hbm>>) dst(%dma_wait3A_41 : memref<624x128xf32, #tpu.memory_space<vmem_shared>>)
      tpu.yield
    }) : () -> ()
    %eq3A = arith.constant 15 : i32
    %eq3A_9 = arith.cmpi eq, %arg1, %eq3A : i32
    %convert_element_type3A = arith.extui %eq3A_9 : i1 to i32
    %cond3A = arith.constant 0 : i32
    %cond3A_10 = arith.cmpi ne, %convert_element_type3A, %cond3A : i32
    scf.if %cond3A_10 {
      "tpu.region"() ({
        %run_scoped3A = tpu.sem_alloc : memref<!tpu.dma_semaphore, #tpu.memory_space<semaphore_mem>>
        %dma_start3A_38 = arith.constant 9984 : i32
        %dma_start3A_39 = arith.constant 0 : i32
        %dma_start3A_40 = tpu.memref_slice %arg15[%dma_start3A_38, %dma_start3A_39] : memref<10000x128xf32, #tpu.memory_space<vmem_shared>> -> memref<16x128xf32, #tpu.memory_space<vmem_shared>>
        %dma_start3A_41 = arith.constant 0 : i32
        %dma_start3A_42 = arith.constant 0 : i32
        %dma_start3A_43 = tpu.memref_slice %arg6[%dma_start3A_41, %dma_start3A_42] : memref<624x128xf32, #tpu.memory_space<hbm>> -> memref<16x128xf32, #tpu.memory_space<hbm>>
        tpu.enqueue_dma source(%dma_start3A_43 : memref<16x128xf32, #tpu.memory_space<hbm>>) target(%dma_start3A_40 : memref<16x128xf32, #tpu.memory_space<vmem_shared>>) target_semaphore(%run_scoped3A : memref<!tpu.dma_semaphore, #tpu.memory_space<semaphore_mem>>)
        %dma_wait3A_44 = arith.constant 9984 : i32
        %dma_wait3A_45 = arith.constant 0 : i32
        %dma_wait3A_46 = tpu.memref_slice %arg15[%dma_wait3A_44, %dma_wait3A_45] : memref<10000x128xf32, #tpu.memory_space<vmem_shared>> -> memref<16x128xf32, #tpu.memory_space<vmem_shared>>
        %dma_wait3A_47 = arith.constant 0 : i32
        %dma_wait3A_48 = arith.constant 0 : i32
        %dma_wait3A_49 = tpu.memref_slice %arg6[%dma_wait3A_47, %dma_wait3A_48] : memref<624x128xf32, #tpu.memory_space<hbm>> -> memref<16x128xf32, #tpu.memory_space<hbm>>
        tpu.wait_dma2 semaphore(%run_scoped3A : memref<!tpu.dma_semaphore, #tpu.memory_space<semaphore_mem>>) src(%dma_wait3A_49 : memref<16x128xf32, #tpu.memory_space<hbm>>) dst(%dma_wait3A_46 : memref<16x128xf32, #tpu.memory_space<vmem_shared>>)
        tpu.yield
      }) : () -> ()
    } else {
    }
    %barrier3A = arith.constant 0 : index
    tpu.barrier barrier_id(%barrier3A)
    %dma_start3A = arith.constant 0 : i32
    %dma_start3A_11 = tpu.memref_slice %arg8[%dma_start3A] : memref<10000xi32, #tpu.memory_space<vmem>> -> memref<80xi32, #tpu.memory_space<vmem>>
    %dma_start3A_12 = arith.constant 0 : i32
    %dma_start3A_13 = arith.constant 0 : i32
    %dma_start3A_14 = tpu.memref_slice %arg2[%dma_start3A_12, %dma_start3A_13] : memref<10000x128xf32, #tpu.memory_space<hbm>> -> memref<10000x128xf32, #tpu.memory_space<hbm>>
    tpu.enqueue_indirect_dma source(%dma_start3A_14 : memref<10000x128xf32, #tpu.memory_space<hbm>>) target(%arg13 : memref<80x128xf32, #tpu.memory_space<vmem>>) offsets(%dma_start3A_11 : memref<80xi32, #tpu.memory_space<vmem>>) semaphore(%arg16 : memref<!tpu.dma_semaphore, #tpu.memory_space<semaphore_mem>>)
    %scan3A = arith.constant 0 : i32
    %scan3A_15 = arith.constant 62 : i32
    %scan3A_16 = arith.addi %scan3A, %scan3A_15 : i32
    %scan3A_17 = arith.constant 1 : i32
    scf.for %scan3A_38 = %scan3A to %scan3A_16 step %scan3A_17  : i32 {
      %mul3A_39 = arith.constant 2 : i32
      %mul3A_40 = arith.muli %scan3A_38, %mul3A_39 : i32
      %add3A_41 = arith.constant 0 : i32
      %add3A_42 = arith.addi %add3A_41, %mul3A_40 : i32
      %add3A_43 = arith.constant 1 : i32
      %add3A_44 = arith.addi %add3A_42, %add3A_43 : i32
      %mul3A_45 = arith.constant 80 : i32
      %mul3A_46 = arith.muli %add3A_44, %mul3A_45 : i32
      %dma_start3A_47 = tpu.memref_slice %arg8[%mul3A_46] : memref<10000xi32, #tpu.memory_space<vmem>> -> memref<80xi32, #tpu.memory_space<vmem>>
      %dma_start3A_48 = arith.constant 0 : i32
      %dma_start3A_49 = arith.constant 0 : i32
      %dma_start3A_50 = tpu.memref_slice %arg2[%dma_start3A_48, %dma_start3A_49] : memref<10000x128xf32, #tpu.memory_space<hbm>> -> memref<10000x128xf32, #tpu.memory_space<hbm>>
      tpu.enqueue_indirect_dma source(%dma_start3A_50 : memref<10000x128xf32, #tpu.memory_space<hbm>>) target(%arg14 : memref<80x128xf32, #tpu.memory_space<vmem>>) offsets(%dma_start3A_47 : memref<80xi32, #tpu.memory_space<vmem>>) semaphore(%arg17 : memref<!tpu.dma_semaphore, #tpu.memory_space<semaphore_mem>>)
      %dma_wait3A_51 = arith.constant 0 : i32
      %dma_wait3A_52 = tpu.memref_slice %arg8[%dma_wait3A_51] : memref<10000xi32, #tpu.memory_space<vmem>> -> memref<80xi32, #tpu.memory_space<vmem>>
      %dma_wait3A_53 = arith.constant 0 : i32
      %dma_wait3A_54 = arith.constant 0 : i32
      %dma_wait3A_55 = tpu.memref_slice %arg2[%dma_wait3A_53, %dma_wait3A_54] : memref<10000x128xf32, #tpu.memory_space<hbm>> -> memref<10000x128xf32, #tpu.memory_space<hbm>>
      tpu.wait_indirect_dma semaphore(%arg16 : memref<!tpu.dma_semaphore, #tpu.memory_space<semaphore_mem>>) src(%dma_wait3A_55 : memref<10000x128xf32, #tpu.memory_space<hbm>>) dst(%arg13 : memref<80x128xf32, #tpu.memory_space<vmem>>)
      %parallel_loop3A_56 = arith.constant 0 : i32
      %parallel_loop3A_57 = arith.constant 80 : i32
      %parallel_loop3A_58 = arith.constant 1 : i32
      scf.for %parallel_loop3A_85 = %parallel_loop3A_56 to %parallel_loop3A_57 step %parallel_loop3A_58  : i32 {
        %parallel_loop3A_86 = arith.constant 80 : i32
        %parallel_loop3A_87 = arith.muli %add3A_42, %parallel_loop3A_86 : i32
        %parallel_loop3A_88 = arith.addi %parallel_loop3A_87, %parallel_loop3A_85 : i32
        %parallel_loop3A_89 = vector.broadcast %parallel_loop3A_88 : i32 to vector<16xi32>
        %parallel_loop3A_90 = tpu.vector_load_idx %arg10[%parallel_loop3A_89] : memref<10000xf32, #tpu.memory_space<vmem>>[vector<16xi32>], vector<16xf32>,
        %parallel_loop3A_91 = arith.index_cast %parallel_loop3A_85 : i32 to index
        %parallel_loop3A_92 = arith.constant 0 : index
        %parallel_loop3A_93 = tpu.vector_load %arg13[%parallel_loop3A_91, %parallel_loop3A_92] {strides = array<i32>} : memref<80x128xf32, #tpu.memory_space<vmem>>, vector<16xf32>,
        %parallel_loop3A_94 = arith.mulf %parallel_loop3A_93, %parallel_loop3A_90 : vector<16xf32>
        %parallel_loop3A_95 = arith.index_cast %parallel_loop3A_85 : i32 to index
        %parallel_loop3A_96 = arith.constant 0 : index
        %parallel_loop3A_97 = tpu.vector_load %arg13[%parallel_loop3A_95, %parallel_loop3A_96] {strides = array<i32>} : memref<80x128xf32, #tpu.memory_space<vmem>>, vector<16xf32>,
        tpu.vector_store %arg13[%parallel_loop3A_95, %parallel_loop3A_96], %parallel_loop3A_94 {strides = array<i32>} : memref<80x128xf32, #tpu.memory_space<vmem>>, vector<16xf32>,
        %parallel_loop3A_98 = arith.index_cast %parallel_loop3A_85 : i32 to index
        %parallel_loop3A_99 = arith.constant 16 : index
        %parallel_loop3A_100 = tpu.vector_load %arg13[%parallel_loop3A_98, %parallel_loop3A_99] {strides = array<i32>} : memref<80x128xf32, #tpu.memory_space<vmem>>, vector<16xf32>,
        %parallel_loop3A_101 = arith.mulf %parallel_loop3A_100, %parallel_loop3A_90 : vector<16xf32>
        %parallel_loop3A_102 = arith.index_cast %parallel_loop3A_85 : i32 to index
        %parallel_loop3A_103 = arith.constant 16 : index
        %parallel_loop3A_104 = tpu.vector_load %arg13[%parallel_loop3A_102, %parallel_loop3A_103] {strides = array<i32>} : memref<80x128xf32, #tpu.memory_space<vmem>>, vector<16xf32>,
        tpu.vector_store %arg13[%parallel_loop3A_102, %parallel_loop3A_103], %parallel_loop3A_101 {strides = array<i32>} : memref<80x128xf32, #tpu.memory_space<vmem>>, vector<16xf32>,
        %parallel_loop3A_105 = arith.index_cast %parallel_loop3A_85 : i32 to index
        %parallel_loop3A_106 = arith.constant 32 : index
        %parallel_loop3A_107 = tpu.vector_load %arg13[%parallel_loop3A_105, %parallel_loop3A_106] {strides = array<i32>} : memref<80x128xf32, #tpu.memory_space<vmem>>, vector<16xf32>,
        %parallel_loop3A_108 = arith.mulf %parallel_loop3A_107, %parallel_loop3A_90 : vector<16xf32>
        %parallel_loop3A_109 = arith.index_cast %parallel_loop3A_85 : i32 to index
        %parallel_loop3A_110 = arith.constant 32 : index
        %parallel_loop3A_111 = tpu.vector_load %arg13[%parallel_loop3A_109, %parallel_loop3A_110] {strides = array<i32>} : memref<80x128xf32, #tpu.memory_space<vmem>>, vector<16xf32>,
        tpu.vector_store %arg13[%parallel_loop3A_109, %parallel_loop3A_110], %parallel_loop3A_108 {strides = array<i32>} : memref<80x128xf32, #tpu.memory_space<vmem>>, vector<16xf32>,
        %parallel_loop3A_112 = arith.index_cast %parallel_loop3A_85 : i32 to index
        %parallel_loop3A_113 = arith.constant 48 : index
        %parallel_loop3A_114 = tpu.vector_load %arg13[%parallel_loop3A_112, %parallel_loop3A_113] {strides = array<i32>} : memref<80x128xf32, #tpu.memory_space<vmem>>, vector<16xf32>,
        %parallel_loop3A_115 = arith.mulf %parallel_loop3A_114, %parallel_loop3A_90 : vector<16xf32>
        %parallel_loop3A_116 = arith.index_cast %parallel_loop3A_85 : i32 to index
        %parallel_loop3A_117 = arith.constant 48 : index
        %parallel_loop3A_118 = tpu.vector_load %arg13[%parallel_loop3A_116, %parallel_loop3A_117] {strides = array<i32>} : memref<80x128xf32, #tpu.memory_space<vmem>>, vector<16xf32>,
        tpu.vector_store %arg13[%parallel_loop3A_116, %parallel_loop3A_117], %parallel_loop3A_115 {strides = array<i32>} : memref<80x128xf32, #tpu.memory_space<vmem>>, vector<16xf32>,
        %parallel_loop3A_119 = arith.index_cast %parallel_loop3A_85 : i32 to index
        %parallel_loop3A_120 = arith.constant 64 : index
        %parallel_loop3A_121 = tpu.vector_load %arg13[%parallel_loop3A_119, %parallel_loop3A_120] {strides = array<i32>} : memref<80x128xf32, #tpu.memory_space<vmem>>, vector<16xf32>,
        %parallel_loop3A_122 = arith.mulf %parallel_loop3A_121, %parallel_loop3A_90 : vector<16xf32>
        %parallel_loop3A_123 = arith.index_cast %parallel_loop3A_85 : i32 to index
        %parallel_loop3A_124 = arith.constant 64 : index
        %parallel_loop3A_125 = tpu.vector_load %arg13[%parallel_loop3A_123, %parallel_loop3A_124] {strides = array<i32>} : memref<80x128xf32, #tpu.memory_space<vmem>>, vector<16xf32>,
        tpu.vector_store %arg13[%parallel_loop3A_123, %parallel_loop3A_124], %parallel_loop3A_122 {strides = array<i32>} : memref<80x128xf32, #tpu.memory_space<vmem>>, vector<16xf32>,
        %parallel_loop3A_126 = arith.index_cast %parallel_loop3A_85 : i32 to index
        %parallel_loop3A_127 = arith.constant 80 : index
        %parallel_loop3A_128 = tpu.vector_load %arg13[%parallel_loop3A_126, %parallel_loop3A_127] {strides = array<i32>} : memref<80x128xf32, #tpu.memory_space<vmem>>, vector<16xf32>,
        %parallel_loop3A_129 = arith.mulf %parallel_loop3A_128, %parallel_loop3A_90 : vector<16xf32>
        %parallel_loop3A_130 = arith.index_cast %parallel_loop3A_85 : i32 to index
        %parallel_loop3A_131 = arith.constant 80 : index
        %parallel_loop3A_132 = tpu.vector_load %arg13[%parallel_loop3A_130, %parallel_loop3A_131] {strides = array<i32>} : memref<80x128xf32, #tpu.memory_space<vmem>>, vector<16xf32>,
        tpu.vector_store %arg13[%parallel_loop3A_130, %parallel_loop3A_131], %parallel_loop3A_129 {strides = array<i32>} : memref<80x128xf32, #tpu.memory_space<vmem>>, vector<16xf32>,
        %parallel_loop3A_133 = arith.index_cast %parallel_loop3A_85 : i32 to index
        %parallel_loop3A_134 = arith.constant 96 : index
        %parallel_loop3A_135 = tpu.vector_load %arg13[%parallel_loop3A_133, %parallel_loop3A_134] {strides = array<i32>} : memref<80x128xf32, #tpu.memory_space<vmem>>, vector<16xf32>,
        %parallel_loop3A_136 = arith.mulf %parallel_loop3A_135, %parallel_loop3A_90 : vector<16xf32>
        %parallel_loop3A_137 = arith.index_cast %parallel_loop3A_85 : i32 to index
        %parallel_loop3A_138 = arith.constant 96 : index
        %parallel_loop3A_139 = tpu.vector_load %arg13[%parallel_loop3A_137, %parallel_loop3A_138] {strides = array<i32>} : memref<80x128xf32, #tpu.memory_space<vmem>>, vector<16xf32>,
        tpu.vector_store %arg13[%parallel_loop3A_137, %parallel_loop3A_138], %parallel_loop3A_136 {strides = array<i32>} : memref<80x128xf32, #tpu.memory_space<vmem>>, vector<16xf32>,
        %parallel_loop3A_140 = arith.index_cast %parallel_loop3A_85 : i32 to index
        %parallel_loop3A_141 = arith.constant 112 : index
        %parallel_loop3A_142 = tpu.vector_load %arg13[%parallel_loop3A_140, %parallel_loop3A_141] {strides = array<i32>} : memref<80x128xf32, #tpu.memory_space<vmem>>, vector<16xf32>,
        %parallel_loop3A_143 = arith.mulf %parallel_loop3A_142, %parallel_loop3A_90 : vector<16xf32>
        %parallel_loop3A_144 = arith.index_cast %parallel_loop3A_85 : i32 to index
        %parallel_loop3A_145 = arith.constant 112 : index
        %parallel_loop3A_146 = tpu.vector_load %arg13[%parallel_loop3A_144, %parallel_loop3A_145] {strides = array<i32>} : memref<80x128xf32, #tpu.memory_space<vmem>>, vector<16xf32>,
        tpu.vector_store %arg13[%parallel_loop3A_144, %parallel_loop3A_145], %parallel_loop3A_143 {strides = array<i32>} : memref<80x128xf32, #tpu.memory_space<vmem>>, vector<16xf32>,
      } {sc.loop_unroll_factor = 4 : i64, sc.parallel_access}
      %parallel_loop3A_59 = arith.constant 0 : i32
      %parallel_loop3A_60 = arith.constant 80 : i32
      %parallel_loop3A_61 = arith.constant 16 : i32
      scf.for %parallel_loop3A_85 = %parallel_loop3A_59 to %parallel_loop3A_60 step %parallel_loop3A_61  : i32 {
        %parallel_loop3A_86 = arith.constant 80 : i32
        %parallel_loop3A_87 = arith.muli %add3A_42, %parallel_loop3A_86 : i32
        %parallel_loop3A_88 = arith.addi %parallel_loop3A_87, %parallel_loop3A_85 : i32
        %parallel_loop3A_89 = arith.index_cast %parallel_loop3A_88 : i32 to index
        %parallel_loop3A_90 = tpu.vector_load %arg9[%parallel_loop3A_89] {strides = array<i32>} : memref<10000xi32, #tpu.memory_space<vmem>>, vector<16xi32>,
        %parallel_loop3A_91 = arith.index_cast %parallel_loop3A_85 : i32 to index
        %parallel_loop3A_92 = tpu.vector_load %arg11[%parallel_loop3A_91] {strides = array<i32>} : memref<80xi32, #tpu.memory_space<vmem>>, vector<16xi32>,
        tpu.vector_store %arg11[%parallel_loop3A_91], %parallel_loop3A_90 {strides = array<i32>} : memref<80xi32, #tpu.memory_space<vmem>>, vector<16xi32>,
      } {sc.loop_unroll_factor = 5 : i64, sc.parallel_access}
      "tpu.region"() ({
        %run_scoped3A = tpu.sem_alloc : memref<!tpu.dma_semaphore, #tpu.memory_space<semaphore_mem>>
        %dma_start3A_85 = arith.constant 0 : i32
        %dma_start3A_86 = arith.constant 0 : i32
        %dma_start3A_87 = tpu.memref_slice %arg15[%dma_start3A_85, %dma_start3A_86] : memref<10000x128xf32, #tpu.memory_space<vmem_shared>> -> memref<10000x128xf32, #tpu.memory_space<vmem_shared>>
        tpu.enqueue_indirect_dma source(%arg13 : memref<80x128xf32, #tpu.memory_space<vmem>>) target(%dma_start3A_87 : memref<10000x128xf32, #tpu.memory_space<vmem_shared>>) offsets(%arg11 : memref<80xi32, #tpu.memory_space<vmem>>) semaphore(%run_scoped3A : memref<!tpu.dma_semaphore, #tpu.memory_space<semaphore_mem>>) {add = true}
        %dma_wait3A_88 = arith.constant 0 : i32
        %dma_wait3A_89 = arith.constant 0 : i32
        %dma_wait3A_90 = tpu.memref_slice %arg15[%dma_wait3A_88, %dma_wait3A_89] : memref<10000x128xf32, #tpu.memory_space<vmem_shared>> -> memref<10000x128xf32, #tpu.memory_space<vmem_shared>>
        tpu.wait_indirect_dma semaphore(%run_scoped3A : memref<!tpu.dma_semaphore, #tpu.memory_space<semaphore_mem>>) src(%arg13 : memref<80x128xf32, #tpu.memory_space<vmem>>) dst(%dma_wait3A_90 : memref<10000x128xf32, #tpu.memory_space<vmem_shared>>)
        tpu.yield
      }) : () -> ()
      %add3A_62 = arith.constant 2 : i32
      %add3A_63 = arith.addi %add3A_42, %add3A_62 : i32
      %mul3A_64 = arith.constant 80 : i32
      %mul3A_65 = arith.muli %add3A_63, %mul3A_64 : i32
      %dma_start3A_66 = tpu.memref_slice %arg8[%mul3A_65] : memref<10000xi32, #tpu.memory_space<vmem>> -> memref<80xi32, #tpu.memory_space<vmem>>
      %dma_start3A_67 = arith.constant 0 : i32
      %dma_start3A_68 = arith.constant 0 : i32
      %dma_start3A_69 = tpu.memref_slice %arg2[%dma_start3A_67, %dma_start3A_68] : memref<10000x128xf32, #tpu.memory_space<hbm>> -> memref<10000x128xf32, #tpu.memory_space<hbm>>
      tpu.enqueue_indirect_dma source(%dma_start3A_69 : memref<10000x128xf32, #tpu.memory_space<hbm>>) target(%arg13 : memref<80x128xf32, #tpu.memory_space<vmem>>) offsets(%dma_start3A_66 : memref<80xi32, #tpu.memory_space<vmem>>) semaphore(%arg16 : memref<!tpu.dma_semaphore, #tpu.memory_space<semaphore_mem>>)
      %dma_wait3A_70 = arith.constant 0 : i32
      %dma_wait3A_71 = tpu.memref_slice %arg8[%dma_wait3A_70] : memref<10000xi32, #tpu.memory_space<vmem>> -> memref<80xi32, #tpu.memory_space<vmem>>
      %dma_wait3A_72 = arith.constant 0 : i32
      %dma_wait3A_73 = arith.constant 0 : i32
      %dma_wait3A_74 = tpu.memref_slice %arg2[%dma_wait3A_72, %dma_wait3A_73] : memref<10000x128xf32, #tpu.memory_space<hbm>> -> memref<10000x128xf32, #tpu.memory_space<hbm>>
      tpu.wait_indirect_dma semaphore(%arg17 : memref<!tpu.dma_semaphore, #tpu.memory_space<semaphore_mem>>) src(%dma_wait3A_74 : memref<10000x128xf32, #tpu.memory_space<hbm>>) dst(%arg14 : memref<80x128xf32, #tpu.memory_space<vmem>>)
      %add3A_75 = arith.constant 1 : i32
      %add3A_76 = arith.addi %add3A_42, %add3A_75 : i32
      %parallel_loop3A_77 = arith.constant 0 : i32
      %parallel_loop3A_78 = arith.constant 80 : i32
      %parallel_loop3A_79 = arith.constant 1 : i32
      scf.for %parallel_loop3A_85 = %parallel_loop3A_77 to %parallel_loop3A_78 step %parallel_loop3A_79  : i32 {
        %parallel_loop3A_86 = arith.constant 80 : i32
        %parallel_loop3A_87 = arith.muli %add3A_76, %parallel_loop3A_86 : i32
        %parallel_loop3A_88 = arith.addi %parallel_loop3A_87, %parallel_loop3A_85 : i32
        %parallel_loop3A_89 = vector.broadcast %parallel_loop3A_88 : i32 to vector<16xi32>
        %parallel_loop3A_90 = tpu.vector_load_idx %arg10[%parallel_loop3A_89] : memref<10000xf32, #tpu.memory_space<vmem>>[vector<16xi32>], vector<16xf32>,
        %parallel_loop3A_91 = arith.index_cast %parallel_loop3A_85 : i32 to index
        %parallel_loop3A_92 = arith.constant 0 : index
        %parallel_loop3A_93 = tpu.vector_load %arg14[%parallel_loop3A_91, %parallel_loop3A_92] {strides = array<i32>} : memref<80x128xf32, #tpu.memory_space<vmem>>, vector<16xf32>,
        %parallel_loop3A_94 = arith.mulf %parallel_loop3A_93, %parallel_loop3A_90 : vector<16xf32>
        %parallel_loop3A_95 = arith.index_cast %parallel_loop3A_85 : i32 to index
        %parallel_loop3A_96 = arith.constant 0 : index
        %parallel_loop3A_97 = tpu.vector_load %arg14[%parallel_loop3A_95, %parallel_loop3A_96] {strides = array<i32>} : memref<80x128xf32, #tpu.memory_space<vmem>>, vector<16xf32>,
        tpu.vector_store %arg14[%parallel_loop3A_95, %parallel_loop3A_96], %parallel_loop3A_94 {strides = array<i32>} : memref<80x128xf32, #tpu.memory_space<vmem>>, vector<16xf32>,
        %parallel_loop3A_98 = arith.index_cast %parallel_loop3A_85 : i32 to index
        %parallel_loop3A_99 = arith.constant 16 : index
        %parallel_loop3A_100 = tpu.vector_load %arg14[%parallel_loop3A_98, %parallel_loop3A_99] {strides = array<i32>} : memref<80x128xf32, #tpu.memory_space<vmem>>, vector<16xf32>,
        %parallel_loop3A_101 = arith.mulf %parallel_loop3A_100, %parallel_loop3A_90 : vector<16xf32>
        %parallel_loop3A_102 = arith.index_cast %parallel_loop3A_85 : i32 to index
        %parallel_loop3A_103 = arith.constant 16 : index
        %parallel_loop3A_104 = tpu.vector_load %arg14[%parallel_loop3A_102, %parallel_loop3A_103] {strides = array<i32>} : memref<80x128xf32, #tpu.memory_space<vmem>>, vector<16xf32>,
        tpu.vector_store %arg14[%parallel_loop3A_102, %parallel_loop3A_103], %parallel_loop3A_101 {strides = array<i32>} : memref<80x128xf32, #tpu.memory_space<vmem>>, vector<16xf32>,
        %parallel_loop3A_105 = arith.index_cast %parallel_loop3A_85 : i32 to index
        %parallel_loop3A_106 = arith.constant 32 : index
        %parallel_loop3A_107 = tpu.vector_load %arg14[%parallel_loop3A_105, %parallel_loop3A_106] {strides = array<i32>} : memref<80x128xf32, #tpu.memory_space<vmem>>, vector<16xf32>,
        %parallel_loop3A_108 = arith.mulf %parallel_loop3A_107, %parallel_loop3A_90 : vector<16xf32>
        %parallel_loop3A_109 = arith.index_cast %parallel_loop3A_85 : i32 to index
        %parallel_loop3A_110 = arith.constant 32 : index
        %parallel_loop3A_111 = tpu.vector_load %arg14[%parallel_loop3A_109, %parallel_loop3A_110] {strides = array<i32>} : memref<80x128xf32, #tpu.memory_space<vmem>>, vector<16xf32>,
        tpu.vector_store %arg14[%parallel_loop3A_109, %parallel_loop3A_110], %parallel_loop3A_108 {strides = array<i32>} : memref<80x128xf32, #tpu.memory_space<vmem>>, vector<16xf32>,
        %parallel_loop3A_112 = arith.index_cast %parallel_loop3A_85 : i32 to index
        %parallel_loop3A_113 = arith.constant 48 : index
        %parallel_loop3A_114 = tpu.vector_load %arg14[%parallel_loop3A_112, %parallel_loop3A_113] {strides = array<i32>} : memref<80x128xf32, #tpu.memory_space<vmem>>, vector<16xf32>,
        %parallel_loop3A_115 = arith.mulf %parallel_loop3A_114, %parallel_loop3A_90 : vector<16xf32>
        %parallel_loop3A_116 = arith.index_cast %parallel_loop3A_85 : i32 to index
        %parallel_loop3A_117 = arith.constant 48 : index
        %parallel_loop3A_118 = tpu.vector_load %arg14[%parallel_loop3A_116, %parallel_loop3A_117] {strides = array<i32>} : memref<80x128xf32, #tpu.memory_space<vmem>>, vector<16xf32>,
        tpu.vector_store %arg14[%parallel_loop3A_116, %parallel_loop3A_117], %parallel_loop3A_115 {strides = array<i32>} : memref<80x128xf32, #tpu.memory_space<vmem>>, vector<16xf32>,
        %parallel_loop3A_119 = arith.index_cast %parallel_loop3A_85 : i32 to index
        %parallel_loop3A_120 = arith.constant 64 : index
        %parallel_loop3A_121 = tpu.vector_load %arg14[%parallel_loop3A_119, %parallel_loop3A_120] {strides = array<i32>} : memref<80x128xf32, #tpu.memory_space<vmem>>, vector<16xf32>,
        %parallel_loop3A_122 = arith.mulf %parallel_loop3A_121, %parallel_loop3A_90 : vector<16xf32>
        %parallel_loop3A_123 = arith.index_cast %parallel_loop3A_85 : i32 to index
        %parallel_loop3A_124 = arith.constant 64 : index
        %parallel_loop3A_125 = tpu.vector_load %arg14[%parallel_loop3A_123, %parallel_loop3A_124] {strides = array<i32>} : memref<80x128xf32, #tpu.memory_space<vmem>>, vector<16xf32>,
        tpu.vector_store %arg14[%parallel_loop3A_123, %parallel_loop3A_124], %parallel_loop3A_122 {strides = array<i32>} : memref<80x128xf32, #tpu.memory_space<vmem>>, vector<16xf32>,
        %parallel_loop3A_126 = arith.index_cast %parallel_loop3A_85 : i32 to index
        %parallel_loop3A_127 = arith.constant 80 : index
        %parallel_loop3A_128 = tpu.vector_load %arg14[%parallel_loop3A_126, %parallel_loop3A_127] {strides = array<i32>} : memref<80x128xf32, #tpu.memory_space<vmem>>, vector<16xf32>,
        %parallel_loop3A_129 = arith.mulf %parallel_loop3A_128, %parallel_loop3A_90 : vector<16xf32>
        %parallel_loop3A_130 = arith.index_cast %parallel_loop3A_85 : i32 to index
        %parallel_loop3A_131 = arith.constant 80 : index
        %parallel_loop3A_132 = tpu.vector_load %arg14[%parallel_loop3A_130, %parallel_loop3A_131] {strides = array<i32>} : memref<80x128xf32, #tpu.memory_space<vmem>>, vector<16xf32>,
        tpu.vector_store %arg14[%parallel_loop3A_130, %parallel_loop3A_131], %parallel_loop3A_129 {strides = array<i32>} : memref<80x128xf32, #tpu.memory_space<vmem>>, vector<16xf32>,
        %parallel_loop3A_133 = arith.index_cast %parallel_loop3A_85 : i32 to index
        %parallel_loop3A_134 = arith.constant 96 : index
        %parallel_loop3A_135 = tpu.vector_load %arg14[%parallel_loop3A_133, %parallel_loop3A_134] {strides = array<i32>} : memref<80x128xf32, #tpu.memory_space<vmem>>, vector<16xf32>,
        %parallel_loop3A_136 = arith.mulf %parallel_loop3A_135, %parallel_loop3A_90 : vector<16xf32>
        %parallel_loop3A_137 = arith.index_cast %parallel_loop3A_85 : i32 to index
        %parallel_loop3A_138 = arith.constant 96 : index
        %parallel_loop3A_139 = tpu.vector_load %arg14[%parallel_loop3A_137, %parallel_loop3A_138] {strides = array<i32>} : memref<80x128xf32, #tpu.memory_space<vmem>>, vector<16xf32>,
        tpu.vector_store %arg14[%parallel_loop3A_137, %parallel_loop3A_138], %parallel_loop3A_136 {strides = array<i32>} : memref<80x128xf32, #tpu.memory_space<vmem>>, vector<16xf32>,
        %parallel_loop3A_140 = arith.index_cast %parallel_loop3A_85 : i32 to index
        %parallel_loop3A_141 = arith.constant 112 : index
        %parallel_loop3A_142 = tpu.vector_load %arg14[%parallel_loop3A_140, %parallel_loop3A_141] {strides = array<i32>} : memref<80x128xf32, #tpu.memory_space<vmem>>, vector<16xf32>,
        %parallel_loop3A_143 = arith.mulf %parallel_loop3A_142, %parallel_loop3A_90 : vector<16xf32>
        %parallel_loop3A_144 = arith.index_cast %parallel_loop3A_85 : i32 to index
        %parallel_loop3A_145 = arith.constant 112 : index
        %parallel_loop3A_146 = tpu.vector_load %arg14[%parallel_loop3A_144, %parallel_loop3A_145] {strides = array<i32>} : memref<80x128xf32, #tpu.memory_space<vmem>>, vector<16xf32>,
        tpu.vector_store %arg14[%parallel_loop3A_144, %parallel_loop3A_145], %parallel_loop3A_143 {strides = array<i32>} : memref<80x128xf32, #tpu.memory_space<vmem>>, vector<16xf32>,
      } {sc.loop_unroll_factor = 4 : i64, sc.parallel_access}
      %add3A_80 = arith.constant 1 : i32
      %add3A_81 = arith.addi %add3A_42, %add3A_80 : i32
      %parallel_loop3A_82 = arith.constant 0 : i32
      %parallel_loop3A_83 = arith.constant 80 : i32
      %parallel_loop3A_84 = arith.constant 16 : i32
      scf.for %parallel_loop3A_85 = %parallel_loop3A_82 to %parallel_loop3A_83 step %parallel_loop3A_84  : i32 {
        %parallel_loop3A_86 = arith.constant 80 : i32
        %parallel_loop3A_87 = arith.muli %add3A_81, %parallel_loop3A_86 : i32
        %parallel_loop3A_88 = arith.addi %parallel_loop3A_87, %parallel_loop3A_85 : i32
        %parallel_loop3A_89 = arith.index_cast %parallel_loop3A_88 : i32 to index
        %parallel_loop3A_90 = tpu.vector_load %arg9[%parallel_loop3A_89] {strides = array<i32>} : memref<10000xi32, #tpu.memory_space<vmem>>, vector<16xi32>,
        %parallel_loop3A_91 = arith.index_cast %parallel_loop3A_85 : i32 to index
        %parallel_loop3A_92 = tpu.vector_load %arg12[%parallel_loop3A_91] {strides = array<i32>} : memref<80xi32, #tpu.memory_space<vmem>>, vector<16xi32>,
        tpu.vector_store %arg12[%parallel_loop3A_91], %parallel_loop3A_90 {strides = array<i32>} : memref<80xi32, #tpu.memory_space<vmem>>, vector<16xi32>,
      } {sc.loop_unroll_factor = 5 : i64, sc.parallel_access}
      "tpu.region"() ({
        %run_scoped3A = tpu.sem_alloc : memref<!tpu.dma_semaphore, #tpu.memory_space<semaphore_mem>>
        %dma_start3A_85 = arith.constant 0 : i32
        %dma_start3A_86 = arith.constant 0 : i32
        %dma_start3A_87 = tpu.memref_slice %arg15[%dma_start3A_85, %dma_start3A_86] : memref<10000x128xf32, #tpu.memory_space<vmem_shared>> -> memref<10000x128xf32, #tpu.memory_space<vmem_shared>>
        tpu.enqueue_indirect_dma source(%arg14 : memref<80x128xf32, #tpu.memory_space<vmem>>) target(%dma_start3A_87 : memref<10000x128xf32, #tpu.memory_space<vmem_shared>>) offsets(%arg12 : memref<80xi32, #tpu.memory_space<vmem>>) semaphore(%run_scoped3A : memref<!tpu.dma_semaphore, #tpu.memory_space<semaphore_mem>>) {add = true}
        %dma_wait3A_88 = arith.constant 0 : i32
        %dma_wait3A_89 = arith.constant 0 : i32
        %dma_wait3A_90 = tpu.memref_slice %arg15[%dma_wait3A_88, %dma_wait3A_89] : memref<10000x128xf32, #tpu.memory_space<vmem_shared>> -> memref<10000x128xf32, #tpu.memory_space<vmem_shared>>
        tpu.wait_indirect_dma semaphore(%run_scoped3A : memref<!tpu.dma_semaphore, #tpu.memory_space<semaphore_mem>>) src(%arg14 : memref<80x128xf32, #tpu.memory_space<vmem>>) dst(%dma_wait3A_90 : memref<10000x128xf32, #tpu.memory_space<vmem_shared>>)
        tpu.yield
      }) : () -> ()
    }
    %scan3A_18 = arith.constant 62 : i32
    %dma_wait3A = arith.constant 0 : i32
    %dma_wait3A_19 = tpu.memref_slice %arg8[%dma_wait3A] : memref<10000xi32, #tpu.memory_space<vmem>> -> memref<80xi32, #tpu.memory_space<vmem>>
    %dma_wait3A_20 = arith.constant 0 : i32
    %dma_wait3A_21 = arith.constant 0 : i32
    %dma_wait3A_22 = tpu.memref_slice %arg2[%dma_wait3A_20, %dma_wait3A_21] : memref<10000x128xf32, #tpu.memory_space<hbm>> -> memref<10000x128xf32, #tpu.memory_space<hbm>>
    tpu.wait_indirect_dma semaphore(%arg16 : memref<!tpu.dma_semaphore, #tpu.memory_space<semaphore_mem>>) src(%dma_wait3A_22 : memref<10000x128xf32, #tpu.memory_space<hbm>>) dst(%arg13 : memref<80x128xf32, #tpu.memory_space<vmem>>)
    %parallel_loop3A = arith.constant 0 : i32
    %parallel_loop3A_23 = arith.constant 80 : i32
    %parallel_loop3A_24 = arith.constant 1 : i32
    scf.for %parallel_loop3A_38 = %parallel_loop3A to %parallel_loop3A_23 step %parallel_loop3A_24  : i32 {
      %parallel_loop3A_39 = arith.constant 9920 : i32
      %parallel_loop3A_40 = arith.addi %parallel_loop3A_39, %parallel_loop3A_38 : i32
      %parallel_loop3A_41 = vector.broadcast %parallel_loop3A_40 : i32 to vector<16xi32>
      %parallel_loop3A_42 = tpu.vector_load_idx %arg10[%parallel_loop3A_41] : memref<10000xf32, #tpu.memory_space<vmem>>[vector<16xi32>], vector<16xf32>,
      %parallel_loop3A_43 = arith.index_cast %parallel_loop3A_38 : i32 to index
      %parallel_loop3A_44 = arith.constant 0 : index
      %parallel_loop3A_45 = tpu.vector_load %arg13[%parallel_loop3A_43, %parallel_loop3A_44] {strides = array<i32>} : memref<80x128xf32, #tpu.memory_space<vmem>>, vector<16xf32>,
      %parallel_loop3A_46 = arith.mulf %parallel_loop3A_45, %parallel_loop3A_42 : vector<16xf32>
      %parallel_loop3A_47 = arith.index_cast %parallel_loop3A_38 : i32 to index
      %parallel_loop3A_48 = arith.constant 0 : index
      %parallel_loop3A_49 = tpu.vector_load %arg13[%parallel_loop3A_47, %parallel_loop3A_48] {strides = array<i32>} : memref<80x128xf32, #tpu.memory_space<vmem>>, vector<16xf32>,
      tpu.vector_store %arg13[%parallel_loop3A_47, %parallel_loop3A_48], %parallel_loop3A_46 {strides = array<i32>} : memref<80x128xf32, #tpu.memory_space<vmem>>, vector<16xf32>,
      %parallel_loop3A_50 = arith.index_cast %parallel_loop3A_38 : i32 to index
      %parallel_loop3A_51 = arith.constant 16 : index
      %parallel_loop3A_52 = tpu.vector_load %arg13[%parallel_loop3A_50, %parallel_loop3A_51] {strides = array<i32>} : memref<80x128xf32, #tpu.memory_space<vmem>>, vector<16xf32>,
      %parallel_loop3A_53 = arith.mulf %parallel_loop3A_52, %parallel_loop3A_42 : vector<16xf32>
      %parallel_loop3A_54 = arith.index_cast %parallel_loop3A_38 : i32 to index
      %parallel_loop3A_55 = arith.constant 16 : index
      %parallel_loop3A_56 = tpu.vector_load %arg13[%parallel_loop3A_54, %parallel_loop3A_55] {strides = array<i32>} : memref<80x128xf32, #tpu.memory_space<vmem>>, vector<16xf32>,
      tpu.vector_store %arg13[%parallel_loop3A_54, %parallel_loop3A_55], %parallel_loop3A_53 {strides = array<i32>} : memref<80x128xf32, #tpu.memory_space<vmem>>, vector<16xf32>,
      %parallel_loop3A_57 = arith.index_cast %parallel_loop3A_38 : i32 to index
      %parallel_loop3A_58 = arith.constant 32 : index
      %parallel_loop3A_59 = tpu.vector_load %arg13[%parallel_loop3A_57, %parallel_loop3A_58] {strides = array<i32>} : memref<80x128xf32, #tpu.memory_space<vmem>>, vector<16xf32>,
      %parallel_loop3A_60 = arith.mulf %parallel_loop3A_59, %parallel_loop3A_42 : vector<16xf32>
      %parallel_loop3A_61 = arith.index_cast %parallel_loop3A_38 : i32 to index
      %parallel_loop3A_62 = arith.constant 32 : index
      %parallel_loop3A_63 = tpu.vector_load %arg13[%parallel_loop3A_61, %parallel_loop3A_62] {strides = array<i32>} : memref<80x128xf32, #tpu.memory_space<vmem>>, vector<16xf32>,
      tpu.vector_store %arg13[%parallel_loop3A_61, %parallel_loop3A_62], %parallel_loop3A_60 {strides = array<i32>} : memref<80x128xf32, #tpu.memory_space<vmem>>, vector<16xf32>,
      %parallel_loop3A_64 = arith.index_cast %parallel_loop3A_38 : i32 to index
      %parallel_loop3A_65 = arith.constant 48 : index
      %parallel_loop3A_66 = tpu.vector_load %arg13[%parallel_loop3A_64, %parallel_loop3A_65] {strides = array<i32>} : memref<80x128xf32, #tpu.memory_space<vmem>>, vector<16xf32>,
      %parallel_loop3A_67 = arith.mulf %parallel_loop3A_66, %parallel_loop3A_42 : vector<16xf32>
      %parallel_loop3A_68 = arith.index_cast %parallel_loop3A_38 : i32 to index
      %parallel_loop3A_69 = arith.constant 48 : index
      %parallel_loop3A_70 = tpu.vector_load %arg13[%parallel_loop3A_68, %parallel_loop3A_69] {strides = array<i32>} : memref<80x128xf32, #tpu.memory_space<vmem>>, vector<16xf32>,
      tpu.vector_store %arg13[%parallel_loop3A_68, %parallel_loop3A_69], %parallel_loop3A_67 {strides = array<i32>} : memref<80x128xf32, #tpu.memory_space<vmem>>, vector<16xf32>,
      %parallel_loop3A_71 = arith.index_cast %parallel_loop3A_38 : i32 to index
      %parallel_loop3A_72 = arith.constant 64 : index
      %parallel_loop3A_73 = tpu.vector_load %arg13[%parallel_loop3A_71, %parallel_loop3A_72] {strides = array<i32>} : memref<80x128xf32, #tpu.memory_space<vmem>>, vector<16xf32>,
      %parallel_loop3A_74 = arith.mulf %parallel_loop3A_73, %parallel_loop3A_42 : vector<16xf32>
      %parallel_loop3A_75 = arith.index_cast %parallel_loop3A_38 : i32 to index
      %parallel_loop3A_76 = arith.constant 64 : index
      %parallel_loop3A_77 = tpu.vector_load %arg13[%parallel_loop3A_75, %parallel_loop3A_76] {strides = array<i32>} : memref<80x128xf32, #tpu.memory_space<vmem>>, vector<16xf32>,
      tpu.vector_store %arg13[%parallel_loop3A_75, %parallel_loop3A_76], %parallel_loop3A_74 {strides = array<i32>} : memref<80x128xf32, #tpu.memory_space<vmem>>, vector<16xf32>,
      %parallel_loop3A_78 = arith.index_cast %parallel_loop3A_38 : i32 to index
      %parallel_loop3A_79 = arith.constant 80 : index
      %parallel_loop3A_80 = tpu.vector_load %arg13[%parallel_loop3A_78, %parallel_loop3A_79] {strides = array<i32>} : memref<80x128xf32, #tpu.memory_space<vmem>>, vector<16xf32>,
      %parallel_loop3A_81 = arith.mulf %parallel_loop3A_80, %parallel_loop3A_42 : vector<16xf32>
      %parallel_loop3A_82 = arith.index_cast %parallel_loop3A_38 : i32 to index
      %parallel_loop3A_83 = arith.constant 80 : index
      %parallel_loop3A_84 = tpu.vector_load %arg13[%parallel_loop3A_82, %parallel_loop3A_83] {strides = array<i32>} : memref<80x128xf32, #tpu.memory_space<vmem>>, vector<16xf32>,
      tpu.vector_store %arg13[%parallel_loop3A_82, %parallel_loop3A_83], %parallel_loop3A_81 {strides = array<i32>} : memref<80x128xf32, #tpu.memory_space<vmem>>, vector<16xf32>,
      %parallel_loop3A_85 = arith.index_cast %parallel_loop3A_38 : i32 to index
      %parallel_loop3A_86 = arith.constant 96 : index
      %parallel_loop3A_87 = tpu.vector_load %arg13[%parallel_loop3A_85, %parallel_loop3A_86] {strides = array<i32>} : memref<80x128xf32, #tpu.memory_space<vmem>>, vector<16xf32>,
      %parallel_loop3A_88 = arith.mulf %parallel_loop3A_87, %parallel_loop3A_42 : vector<16xf32>
      %parallel_loop3A_89 = arith.index_cast %parallel_loop3A_38 : i32 to index
      %parallel_loop3A_90 = arith.constant 96 : index
      %parallel_loop3A_91 = tpu.vector_load %arg13[%parallel_loop3A_89, %parallel_loop3A_90] {strides = array<i32>} : memref<80x128xf32, #tpu.memory_space<vmem>>, vector<16xf32>,
      tpu.vector_store %arg13[%parallel_loop3A_89, %parallel_loop3A_90], %parallel_loop3A_88 {strides = array<i32>} : memref<80x128xf32, #tpu.memory_space<vmem>>, vector<16xf32>,
      %parallel_loop3A_92 = arith.index_cast %parallel_loop3A_38 : i32 to index
      %parallel_loop3A_93 = arith.constant 112 : index
      %parallel_loop3A_94 = tpu.vector_load %arg13[%parallel_loop3A_92, %parallel_loop3A_93] {strides = array<i32>} : memref<80x128xf32, #tpu.memory_space<vmem>>, vector<16xf32>,
      %parallel_loop3A_95 = arith.mulf %parallel_loop3A_94, %parallel_loop3A_42 : vector<16xf32>
      %parallel_loop3A_96 = arith.index_cast %parallel_loop3A_38 : i32 to index
      %parallel_loop3A_97 = arith.constant 112 : index
      %parallel_loop3A_98 = tpu.vector_load %arg13[%parallel_loop3A_96, %parallel_loop3A_97] {strides = array<i32>} : memref<80x128xf32, #tpu.memory_space<vmem>>, vector<16xf32>,
      tpu.vector_store %arg13[%parallel_loop3A_96, %parallel_loop3A_97], %parallel_loop3A_95 {strides = array<i32>} : memref<80x128xf32, #tpu.memory_space<vmem>>, vector<16xf32>,
    } {sc.loop_unroll_factor = 4 : i64, sc.parallel_access}
    %parallel_loop3A_25 = arith.constant 0 : i32
    %parallel_loop3A_26 = arith.constant 80 : i32
    %parallel_loop3A_27 = arith.constant 16 : i32
    scf.for %parallel_loop3A_38 = %parallel_loop3A_25 to %parallel_loop3A_26 step %parallel_loop3A_27  : i32 {
      %parallel_loop3A_39 = arith.constant 9920 : i32
      %parallel_loop3A_40 = arith.addi %parallel_loop3A_39, %parallel_loop3A_38 : i32
      %parallel_loop3A_41 = arith.index_cast %parallel_loop3A_40 : i32 to index
      %parallel_loop3A_42 = tpu.vector_load %arg9[%parallel_loop3A_41] {strides = array<i32>} : memref<10000xi32, #tpu.memory_space<vmem>>, vector<16xi32>,
      %parallel_loop3A_43 = arith.index_cast %parallel_loop3A_38 : i32 to index
      %parallel_loop3A_44 = tpu.vector_load %arg11[%parallel_loop3A_43] {strides = array<i32>} : memref<80xi32, #tpu.memory_space<vmem>>, vector<16xi32>,
      tpu.vector_store %arg11[%parallel_loop3A_43], %parallel_loop3A_42 {strides = array<i32>} : memref<80xi32, #tpu.memory_space<vmem>>, vector<16xi32>,
    } {sc.loop_unroll_factor = 5 : i64, sc.parallel_access}
    "tpu.region"() ({
      %run_scoped3A = tpu.sem_alloc : memref<!tpu.dma_semaphore, #tpu.memory_space<semaphore_mem>>
      %dma_start3A_38 = arith.constant 0 : i32
      %dma_start3A_39 = arith.constant 0 : i32
      %dma_start3A_40 = tpu.memref_slice %arg15[%dma_start3A_38, %dma_start3A_39] : memref<10000x128xf32, #tpu.memory_space<vmem_shared>> -> memref<10000x128xf32, #tpu.memory_space<vmem_shared>>
      tpu.enqueue_indirect_dma source(%arg13 : memref<80x128xf32, #tpu.memory_space<vmem>>) target(%dma_start3A_40 : memref<10000x128xf32, #tpu.memory_space<vmem_shared>>) offsets(%arg11 : memref<80xi32, #tpu.memory_space<vmem>>) semaphore(%run_scoped3A : memref<!tpu.dma_semaphore, #tpu.memory_space<semaphore_mem>>) {add = true}
      %dma_wait3A_41 = arith.constant 0 : i32
      %dma_wait3A_42 = arith.constant 0 : i32
      %dma_wait3A_43 = tpu.memref_slice %arg15[%dma_wait3A_41, %dma_wait3A_42] : memref<10000x128xf32, #tpu.memory_space<vmem_shared>> -> memref<10000x128xf32, #tpu.memory_space<vmem_shared>>
      tpu.wait_indirect_dma semaphore(%run_scoped3A : memref<!tpu.dma_semaphore, #tpu.memory_space<semaphore_mem>>) src(%arg13 : memref<80x128xf32, #tpu.memory_space<vmem>>) dst(%dma_wait3A_43 : memref<10000x128xf32, #tpu.memory_space<vmem_shared>>)
      tpu.yield
    }) : () -> ()
    %barrier3A_28 = arith.constant 0 : index
    tpu.barrier barrier_id(%barrier3A_28)
    %mul3A_29 = arith.constant 624 : i32
    %mul3A_30 = arith.muli %arg1, %mul3A_29 : i32
    %mul3A_31 = arith.constant 624 : i32
    %mul3A_32 = arith.muli %arg1, %mul3A_31 : i32
    "tpu.region"() ({
      %run_scoped3A = tpu.sem_alloc : memref<!tpu.dma_semaphore, #tpu.memory_space<semaphore_mem>>
      %dma_start3A_38 = arith.constant 0 : i32
      %dma_start3A_39 = arith.constant 0 : i32
      %dma_start3A_40 = tpu.memref_slice %arg7[%arg0, %dma_start3A_38, %dma_start3A_39] : memref<2x10000x128xf32, #tpu.memory_space<hbm>> -> memref<1x10000x128xf32, #tpu.memory_space<hbm>>
      %dma_start3A_41 = tpu.memref_squeeze %dma_start3A_40 : memref<1x10000x128xf32, #tpu.memory_space<hbm>> -> memref<10000x128xf32, #tpu.memory_space<hbm>>
      %dma_start3A_42 = arith.constant 0 : i32
      %dma_start3A_43 = tpu.memref_slice %dma_start3A_41[%mul3A_32, %dma_start3A_42] : memref<10000x128xf32, #tpu.memory_space<hbm>> -> memref<624x128xf32, #tpu.memory_space<hbm>>
      %dma_start3A_44 = arith.constant 0 : i32
      %dma_start3A_45 = tpu.memref_slice %arg15[%mul3A_30, %dma_start3A_44] : memref<10000x128xf32, #tpu.memory_space<vmem_shared>> -> memref<624x128xf32, #tpu.memory_space<vmem_shared>>
      tpu.enqueue_dma source(%dma_start3A_45 : memref<624x128xf32, #tpu.memory_space<vmem_shared>>) target(%dma_start3A_43 : memref<624x128xf32, #tpu.memory_space<hbm>>) target_semaphore(%run_scoped3A : memref<!tpu.dma_semaphore, #tpu.memory_space<semaphore_mem>>)
      %dma_wait3A_46 = arith.constant 0 : i32
      %dma_wait3A_47 = arith.constant 0 : i32
      %dma_wait3A_48 = tpu.memref_slice %arg7[%arg0, %dma_wait3A_46, %dma_wait3A_47] : memref<2x10000x128xf32, #tpu.memory_space<hbm>> -> memref<1x10000x128xf32, #tpu.memory_space<hbm>>
      %dma_wait3A_49 = tpu.memref_squeeze %dma_wait3A_48 : memref<1x10000x128xf32, #tpu.memory_space<hbm>> -> memref<10000x128xf32, #tpu.memory_space<hbm>>
      %dma_wait3A_50 = arith.constant 0 : i32
      %dma_wait3A_51 = tpu.memref_slice %dma_wait3A_49[%mul3A_32, %dma_wait3A_50] : memref<10000x128xf32, #tpu.memory_space<hbm>> -> memref<624x128xf32, #tpu.memory_space<hbm>>
      %dma_wait3A_52 = arith.constant 0 : i32
      %dma_wait3A_53 = tpu.memref_slice %arg15[%mul3A_30, %dma_wait3A_52] : memref<10000x128xf32, #tpu.memory_space<vmem_shared>> -> memref<624x128xf32, #tpu.memory_space<vmem_shared>>
      tpu.wait_dma2 semaphore(%run_scoped3A : memref<!tpu.dma_semaphore, #tpu.memory_space<semaphore_mem>>) src(%dma_wait3A_53 : memref<624x128xf32, #tpu.memory_space<vmem_shared>>) dst(%dma_wait3A_51 : memref<624x128xf32, #tpu.memory_space<hbm>>)
      tpu.yield
    }) : () -> ()
    %eq3A_33 = arith.constant 15 : i32
    %eq3A_34 = arith.cmpi eq, %arg1, %eq3A_33 : i32
    %convert_element_type3A_35 = arith.extui %eq3A_34 : i1 to i32
    %cond3A_36 = arith.constant 0 : i32
    %cond3A_37 = arith.cmpi ne, %convert_element_type3A_35, %cond3A_36 : i32
    scf.if %cond3A_37 {
      "tpu.region"() ({
        %run_scoped3A = tpu.sem_alloc : memref<!tpu.dma_semaphore, #tpu.memory_space<semaphore_mem>>
        %dma_start3A_38 = arith.constant 0 : i32
        %dma_start3A_39 = arith.constant 0 : i32
        %dma_start3A_40 = tpu.memref_slice %arg7[%arg0, %dma_start3A_38, %dma_start3A_39] : memref<2x10000x128xf32, #tpu.memory_space<hbm>> -> memref<1x10000x128xf32, #tpu.memory_space<hbm>>
        %dma_start3A_41 = tpu.memref_squeeze %dma_start3A_40 : memref<1x10000x128xf32, #tpu.memory_space<hbm>> -> memref<10000x128xf32, #tpu.memory_space<hbm>>
        %dma_start3A_42 = arith.constant 9984 : i32
        %dma_start3A_43 = arith.constant 0 : i32
        %dma_start3A_44 = tpu.memref_slice %dma_start3A_41[%dma_start3A_42, %dma_start3A_43] : memref<10000x128xf32, #tpu.memory_space<hbm>> -> memref<16x128xf32, #tpu.memory_space<hbm>>
        %dma_start3A_45 = arith.constant 9984 : i32
        %dma_start3A_46 = arith.constant 0 : i32
        %dma_start3A_47 = tpu.memref_slice %arg15[%dma_start3A_45, %dma_start3A_46] : memref<10000x128xf32, #tpu.memory_space<vmem_shared>> -> memref<16x128xf32, #tpu.memory_space<vmem_shared>>
        tpu.enqueue_dma source(%dma_start3A_47 : memref<16x128xf32, #tpu.memory_space<vmem_shared>>) target(%dma_start3A_44 : memref<16x128xf32, #tpu.memory_space<hbm>>) target_semaphore(%run_scoped3A : memref<!tpu.dma_semaphore, #tpu.memory_space<semaphore_mem>>)
        %dma_wait3A_48 = arith.constant 0 : i32
        %dma_wait3A_49 = arith.constant 0 : i32
        %dma_wait3A_50 = tpu.memref_slice %arg7[%arg0, %dma_wait3A_48, %dma_wait3A_49] : memref<2x10000x128xf32, #tpu.memory_space<hbm>> -> memref<1x10000x128xf32, #tpu.memory_space<hbm>>
        %dma_wait3A_51 = tpu.memref_squeeze %dma_wait3A_50 : memref<1x10000x128xf32, #tpu.memory_space<hbm>> -> memref<10000x128xf32, #tpu.memory_space<hbm>>
        %dma_wait3A_52 = arith.constant 9984 : i32
        %dma_wait3A_53 = arith.constant 0 : i32
        %dma_wait3A_54 = tpu.memref_slice %dma_wait3A_51[%dma_wait3A_52, %dma_wait3A_53] : memref<10000x128xf32, #tpu.memory_space<hbm>> -> memref<16x128xf32, #tpu.memory_space<hbm>>
        %dma_wait3A_55 = arith.constant 9984 : i32
        %dma_wait3A_56 = arith.constant 0 : i32
        %dma_wait3A_57 = tpu.memref_slice %arg15[%dma_wait3A_55, %dma_wait3A_56] : memref<10000x128xf32, #tpu.memory_space<vmem_shared>> -> memref<16x128xf32, #tpu.memory_space<vmem_shared>>
        tpu.wait_dma2 semaphore(%run_scoped3A : memref<!tpu.dma_semaphore, #tpu.memory_space<semaphore_mem>>) src(%dma_wait3A_57 : memref<16x128xf32, #tpu.memory_space<vmem_shared>>) dst(%dma_wait3A_54 : memref<16x128xf32, #tpu.memory_space<hbm>>)
        tpu.yield
      }) : () -> ()
    } else {
    }
    return
  }
}

#map = affine_map<(d0, d1) -> (0, 0)>
#map1 = affine_map<(d0, d1) -> (0)>
#map2 = affine_map<(d0, d1) -> (0, 0, 0)>
module attributes {stable_mosaic.version = 14 : i64} {
  func.func @spmm(%arg0: i32, %arg1: i32, %arg2: memref<10000x64xf32, #tpu.memory_space<hbm>>, %arg3: memref<320000xi32, #tpu.memory_space<hbm>>, %arg4: memref<320000xi32, #tpu.memory_space<hbm>>, %arg5: memref<320000xf32, #tpu.memory_space<hbm>>, %arg6: memref<624x64xf32, #tpu.memory_space<hbm>>, %arg7: memref<2x10000x64xf32, #tpu.memory_space<hbm>>, %arg8: memref<10000xi32, #tpu.memory_space<vmem>>, %arg9: memref<10000xi32, #tpu.memory_space<vmem>>, %arg10: memref<10000xf32, #tpu.memory_space<vmem>>, %arg11: memref<80xi32, #tpu.memory_space<vmem>>, %arg12: memref<80xi32, #tpu.memory_space<vmem>>, %arg13: memref<80x64xf32, #tpu.memory_space<vmem>>, %arg14: memref<80x64xf32, #tpu.memory_space<vmem>>, %arg15: memref<10000x64xf32, #tpu.memory_space<vmem_shared>>, %arg16: memref<!tpu.dma_semaphore, #tpu.memory_space<semaphore_mem>>, %arg17: memref<!tpu.dma_semaphore, #tpu.memory_space<semaphore_mem>>) attributes {dimension_semantics = [#tpu.dimension_semantics<core_parallel>, #tpu.dimension_semantics<subcore_parallel>], iteration_bounds = array<i64: 2, 16>, scalar_prefetch = 0 : i64, scratch_operands = 10 : i64, tpu.core_type = #tpu.core_type<sc_vector_subcore>, window_params = [{transform_indices = #map}, {transform_indices = #map1}, {transform_indices = #map1}, {transform_indices = #map1}, {transform_indices = #map}, {transform_indices = #map2}]} {
    %mul3A = arith.constant 16 : i32
    %mul3A_0 = arith.muli %arg0, %mul3A : i32
    %add3A = arith.addi %mul3A_0, %arg1 : i32
    %mul3A_1 = arith.constant 10000 : i32
    %mul3A_2 = arith.muli %add3A, %mul3A_1 : i32
    "tpu.region"() ({
      %run_scoped3A = tpu.sem_alloc : memref<!tpu.dma_semaphore, #tpu.memory_space<semaphore_mem>>
      %dma_start3A_38 = tpu.memref_slice %arg3[%mul3A_2] : memref<320000xi32, #tpu.memory_space<hbm>> -> memref<10000xi32, #tpu.memory_space<hbm>>
      %dma_start3A_39 = tpu.memref_slice %arg3[%mul3A_2] : memref<320000xi32, #tpu.memory_space<hbm>> -> memref<10000xi32, #tpu.memory_space<hbm>>
      tpu.enqueue_dma source(%dma_start3A_39 : memref<10000xi32, #tpu.memory_space<hbm>>) target(%arg8 : memref<10000xi32, #tpu.memory_space<vmem>>) target_semaphore(%run_scoped3A : memref<!tpu.dma_semaphore, #tpu.memory_space<semaphore_mem>>)
      %dma_wait3A_40 = tpu.memref_slice %arg3[%mul3A_2] : memref<320000xi32, #tpu.memory_space<hbm>> -> memref<10000xi32, #tpu.memory_space<hbm>>
      %dma_wait3A_41 = tpu.memref_slice %arg3[%mul3A_2] : memref<320000xi32, #tpu.memory_space<hbm>> -> memref<10000xi32, #tpu.memory_space<hbm>>
      tpu.wait_dma2 semaphore(%run_scoped3A : memref<!tpu.dma_semaphore, #tpu.memory_space<semaphore_mem>>) src(%dma_wait3A_41 : memref<10000xi32, #tpu.memory_space<hbm>>) dst(%arg8 : memref<10000xi32, #tpu.memory_space<vmem>>)
      tpu.yield
    }) : () -> ()
    %mul3A_3 = arith.constant 10000 : i32
    %mul3A_4 = arith.muli %add3A, %mul3A_3 : i32
    "tpu.region"() ({
      %run_scoped3A = tpu.sem_alloc : memref<!tpu.dma_semaphore, #tpu.memory_space<semaphore_mem>>
      %dma_start3A_38 = tpu.memref_slice %arg4[%mul3A_4] : memref<320000xi32, #tpu.memory_space<hbm>> -> memref<10000xi32, #tpu.memory_space<hbm>>
      %dma_start3A_39 = tpu.memref_slice %arg4[%mul3A_4] : memref<320000xi32, #tpu.memory_space<hbm>> -> memref<10000xi32, #tpu.memory_space<hbm>>
      tpu.enqueue_dma source(%dma_start3A_39 : memref<10000xi32, #tpu.memory_space<hbm>>) target(%arg9 : memref<10000xi32, #tpu.memory_space<vmem>>) target_semaphore(%run_scoped3A : memref<!tpu.dma_semaphore, #tpu.memory_space<semaphore_mem>>)
      %dma_wait3A_40 = tpu.memref_slice %arg4[%mul3A_4] : memref<320000xi32, #tpu.memory_space<hbm>> -> memref<10000xi32, #tpu.memory_space<hbm>>
      %dma_wait3A_41 = tpu.memref_slice %arg4[%mul3A_4] : memref<320000xi32, #tpu.memory_space<hbm>> -> memref<10000xi32, #tpu.memory_space<hbm>>
      tpu.wait_dma2 semaphore(%run_scoped3A : memref<!tpu.dma_semaphore, #tpu.memory_space<semaphore_mem>>) src(%dma_wait3A_41 : memref<10000xi32, #tpu.memory_space<hbm>>) dst(%arg9 : memref<10000xi32, #tpu.memory_space<vmem>>)
      tpu.yield
    }) : () -> ()
    %mul3A_5 = arith.constant 10000 : i32
    %mul3A_6 = arith.muli %add3A, %mul3A_5 : i32
    "tpu.region"() ({
      %run_scoped3A = tpu.sem_alloc : memref<!tpu.dma_semaphore, #tpu.memory_space<semaphore_mem>>
      %dma_start3A_38 = tpu.memref_slice %arg5[%mul3A_6] : memref<320000xf32, #tpu.memory_space<hbm>> -> memref<10000xf32, #tpu.memory_space<hbm>>
      %dma_start3A_39 = tpu.memref_slice %arg5[%mul3A_6] : memref<320000xf32, #tpu.memory_space<hbm>> -> memref<10000xf32, #tpu.memory_space<hbm>>
      tpu.enqueue_dma source(%dma_start3A_39 : memref<10000xf32, #tpu.memory_space<hbm>>) target(%arg10 : memref<10000xf32, #tpu.memory_space<vmem>>) target_semaphore(%run_scoped3A : memref<!tpu.dma_semaphore, #tpu.memory_space<semaphore_mem>>)
      %dma_wait3A_40 = tpu.memref_slice %arg5[%mul3A_6] : memref<320000xf32, #tpu.memory_space<hbm>> -> memref<10000xf32, #tpu.memory_space<hbm>>
      %dma_wait3A_41 = tpu.memref_slice %arg5[%mul3A_6] : memref<320000xf32, #tpu.memory_space<hbm>> -> memref<10000xf32, #tpu.memory_space<hbm>>
      tpu.wait_dma2 semaphore(%run_scoped3A : memref<!tpu.dma_semaphore, #tpu.memory_space<semaphore_mem>>) src(%dma_wait3A_41 : memref<10000xf32, #tpu.memory_space<hbm>>) dst(%arg10 : memref<10000xf32, #tpu.memory_space<vmem>>)
      tpu.yield
    }) : () -> ()
    %mul3A_7 = arith.constant 624 : i32
    %mul3A_8 = arith.muli %arg1, %mul3A_7 : i32
    "tpu.region"() ({
      %run_scoped3A = tpu.sem_alloc : memref<!tpu.dma_semaphore, #tpu.memory_space<semaphore_mem>>
      %dma_start3A_38 = arith.constant 0 : i32
      %dma_start3A_39 = tpu.memref_slice %arg15[%mul3A_8, %dma_start3A_38] : memref<10000x64xf32, #tpu.memory_space<vmem_shared>> -> memref<624x64xf32, #tpu.memory_space<vmem_shared>>
      tpu.enqueue_dma source(%arg6 : memref<624x64xf32, #tpu.memory_space<hbm>>) target(%dma_start3A_39 : memref<624x64xf32, #tpu.memory_space<vmem_shared>>) target_semaphore(%run_scoped3A : memref<!tpu.dma_semaphore, #tpu.memory_space<semaphore_mem>>)
      %dma_wait3A_40 = arith.constant 0 : i32
      %dma_wait3A_41 = tpu.memref_slice %arg15[%mul3A_8, %dma_wait3A_40] : memref<10000x64xf32, #tpu.memory_space<vmem_shared>> -> memref<624x64xf32, #tpu.memory_space<vmem_shared>>
      tpu.wait_dma2 semaphore(%run_scoped3A : memref<!tpu.dma_semaphore, #tpu.memory_space<semaphore_mem>>) src(%arg6 : memref<624x64xf32, #tpu.memory_space<hbm>>) dst(%dma_wait3A_41 : memref<624x64xf32, #tpu.memory_space<vmem_shared>>)
      tpu.yield
    }) : () -> ()
    %eq3A = arith.constant 15 : i32
    %eq3A_9 = arith.cmpi eq, %arg1, %eq3A : i32
    %convert_element_type3A = arith.extui %eq3A_9 : i1 to i32
    %cond3A = arith.constant 0 : i32
    %cond3A_10 = arith.cmpi ne, %convert_element_type3A, %cond3A : i32
    scf.if %cond3A_10 {
      "tpu.region"() ({
        %run_scoped3A = tpu.sem_alloc : memref<!tpu.dma_semaphore, #tpu.memory_space<semaphore_mem>>
        %dma_start3A_38 = arith.constant 9984 : i32
        %dma_start3A_39 = arith.constant 0 : i32
        %dma_start3A_40 = tpu.memref_slice %arg15[%dma_start3A_38, %dma_start3A_39] : memref<10000x64xf32, #tpu.memory_space<vmem_shared>> -> memref<16x64xf32, #tpu.memory_space<vmem_shared>>
        %dma_start3A_41 = arith.constant 0 : i32
        %dma_start3A_42 = arith.constant 0 : i32
        %dma_start3A_43 = tpu.memref_slice %arg6[%dma_start3A_41, %dma_start3A_42] : memref<624x64xf32, #tpu.memory_space<hbm>> -> memref<16x64xf32, #tpu.memory_space<hbm>>
        tpu.enqueue_dma source(%dma_start3A_43 : memref<16x64xf32, #tpu.memory_space<hbm>>) target(%dma_start3A_40 : memref<16x64xf32, #tpu.memory_space<vmem_shared>>) target_semaphore(%run_scoped3A : memref<!tpu.dma_semaphore, #tpu.memory_space<semaphore_mem>>)
        %dma_wait3A_44 = arith.constant 9984 : i32
        %dma_wait3A_45 = arith.constant 0 : i32
        %dma_wait3A_46 = tpu.memref_slice %arg15[%dma_wait3A_44, %dma_wait3A_45] : memref<10000x64xf32, #tpu.memory_space<vmem_shared>> -> memref<16x64xf32, #tpu.memory_space<vmem_shared>>
        %dma_wait3A_47 = arith.constant 0 : i32
        %dma_wait3A_48 = arith.constant 0 : i32
        %dma_wait3A_49 = tpu.memref_slice %arg6[%dma_wait3A_47, %dma_wait3A_48] : memref<624x64xf32, #tpu.memory_space<hbm>> -> memref<16x64xf32, #tpu.memory_space<hbm>>
        tpu.wait_dma2 semaphore(%run_scoped3A : memref<!tpu.dma_semaphore, #tpu.memory_space<semaphore_mem>>) src(%dma_wait3A_49 : memref<16x64xf32, #tpu.memory_space<hbm>>) dst(%dma_wait3A_46 : memref<16x64xf32, #tpu.memory_space<vmem_shared>>)
        tpu.yield
      }) : () -> ()
    } else {
    }
    %barrier3A = arith.constant 0 : index
    tpu.barrier barrier_id(%barrier3A)
    %dma_start3A = arith.constant 0 : i32
    %dma_start3A_11 = tpu.memref_slice %arg8[%dma_start3A] : memref<10000xi32, #tpu.memory_space<vmem>> -> memref<80xi32, #tpu.memory_space<vmem>>
    %dma_start3A_12 = arith.constant 0 : i32
    %dma_start3A_13 = arith.constant 0 : i32
    %dma_start3A_14 = tpu.memref_slice %arg2[%dma_start3A_12, %dma_start3A_13] : memref<10000x64xf32, #tpu.memory_space<hbm>> -> memref<10000x64xf32, #tpu.memory_space<hbm>>
    tpu.enqueue_indirect_dma source(%dma_start3A_14 : memref<10000x64xf32, #tpu.memory_space<hbm>>) target(%arg13 : memref<80x64xf32, #tpu.memory_space<vmem>>) offsets(%dma_start3A_11 : memref<80xi32, #tpu.memory_space<vmem>>) semaphore(%arg16 : memref<!tpu.dma_semaphore, #tpu.memory_space<semaphore_mem>>)
    %scan3A = arith.constant 0 : i32
    %scan3A_15 = arith.constant 62 : i32
    %scan3A_16 = arith.addi %scan3A, %scan3A_15 : i32
    %scan3A_17 = arith.constant 1 : i32
    scf.for %scan3A_38 = %scan3A to %scan3A_16 step %scan3A_17  : i32 {
      %mul3A_39 = arith.constant 2 : i32
      %mul3A_40 = arith.muli %scan3A_38, %mul3A_39 : i32
      %add3A_41 = arith.constant 0 : i32
      %add3A_42 = arith.addi %add3A_41, %mul3A_40 : i32
      %add3A_43 = arith.constant 1 : i32
      %add3A_44 = arith.addi %add3A_42, %add3A_43 : i32
      %mul3A_45 = arith.constant 80 : i32
      %mul3A_46 = arith.muli %add3A_44, %mul3A_45 : i32
      %dma_start3A_47 = tpu.memref_slice %arg8[%mul3A_46] : memref<10000xi32, #tpu.memory_space<vmem>> -> memref<80xi32, #tpu.memory_space<vmem>>
      %dma_start3A_48 = arith.constant 0 : i32
      %dma_start3A_49 = arith.constant 0 : i32
      %dma_start3A_50 = tpu.memref_slice %arg2[%dma_start3A_48, %dma_start3A_49] : memref<10000x64xf32, #tpu.memory_space<hbm>> -> memref<10000x64xf32, #tpu.memory_space<hbm>>
      tpu.enqueue_indirect_dma source(%dma_start3A_50 : memref<10000x64xf32, #tpu.memory_space<hbm>>) target(%arg14 : memref<80x64xf32, #tpu.memory_space<vmem>>) offsets(%dma_start3A_47 : memref<80xi32, #tpu.memory_space<vmem>>) semaphore(%arg17 : memref<!tpu.dma_semaphore, #tpu.memory_space<semaphore_mem>>)
      %dma_wait3A_51 = arith.constant 0 : i32
      %dma_wait3A_52 = tpu.memref_slice %arg8[%dma_wait3A_51] : memref<10000xi32, #tpu.memory_space<vmem>> -> memref<80xi32, #tpu.memory_space<vmem>>
      %dma_wait3A_53 = arith.constant 0 : i32
      %dma_wait3A_54 = arith.constant 0 : i32
      %dma_wait3A_55 = tpu.memref_slice %arg2[%dma_wait3A_53, %dma_wait3A_54] : memref<10000x64xf32, #tpu.memory_space<hbm>> -> memref<10000x64xf32, #tpu.memory_space<hbm>>
      tpu.wait_indirect_dma semaphore(%arg16 : memref<!tpu.dma_semaphore, #tpu.memory_space<semaphore_mem>>) src(%dma_wait3A_55 : memref<10000x64xf32, #tpu.memory_space<hbm>>) dst(%arg13 : memref<80x64xf32, #tpu.memory_space<vmem>>)
      %parallel_loop3A_56 = arith.constant 0 : i32
      %parallel_loop3A_57 = arith.constant 80 : i32
      %parallel_loop3A_58 = arith.constant 1 : i32
      scf.for %parallel_loop3A_85 = %parallel_loop3A_56 to %parallel_loop3A_57 step %parallel_loop3A_58  : i32 {
        %parallel_loop3A_86 = arith.constant 80 : i32
        %parallel_loop3A_87 = arith.muli %add3A_42, %parallel_loop3A_86 : i32
        %parallel_loop3A_88 = arith.addi %parallel_loop3A_87, %parallel_loop3A_85 : i32
        %parallel_loop3A_89 = vector.broadcast %parallel_loop3A_88 : i32 to vector<16xi32>
        %parallel_loop3A_90 = tpu.vector_load_idx %arg10[%parallel_loop3A_89] : memref<10000xf32, #tpu.memory_space<vmem>>[vector<16xi32>], vector<16xf32>,
        %parallel_loop3A_91 = arith.index_cast %parallel_loop3A_85 : i32 to index
        %parallel_loop3A_92 = arith.constant 0 : index
        %parallel_loop3A_93 = tpu.vector_load %arg13[%parallel_loop3A_91, %parallel_loop3A_92] {strides = array<i32>} : memref<80x64xf32, #tpu.memory_space<vmem>>, vector<16xf32>,
        %parallel_loop3A_94 = arith.mulf %parallel_loop3A_93, %parallel_loop3A_90 : vector<16xf32>
        %parallel_loop3A_95 = arith.index_cast %parallel_loop3A_85 : i32 to index
        %parallel_loop3A_96 = arith.constant 0 : index
        %parallel_loop3A_97 = tpu.vector_load %arg13[%parallel_loop3A_95, %parallel_loop3A_96] {strides = array<i32>} : memref<80x64xf32, #tpu.memory_space<vmem>>, vector<16xf32>,
        tpu.vector_store %arg13[%parallel_loop3A_95, %parallel_loop3A_96], %parallel_loop3A_94 {strides = array<i32>} : memref<80x64xf32, #tpu.memory_space<vmem>>, vector<16xf32>,
        %parallel_loop3A_98 = arith.index_cast %parallel_loop3A_85 : i32 to index
        %parallel_loop3A_99 = arith.constant 16 : index
        %parallel_loop3A_100 = tpu.vector_load %arg13[%parallel_loop3A_98, %parallel_loop3A_99] {strides = array<i32>} : memref<80x64xf32, #tpu.memory_space<vmem>>, vector<16xf32>,
        %parallel_loop3A_101 = arith.mulf %parallel_loop3A_100, %parallel_loop3A_90 : vector<16xf32>
        %parallel_loop3A_102 = arith.index_cast %parallel_loop3A_85 : i32 to index
        %parallel_loop3A_103 = arith.constant 16 : index
        %parallel_loop3A_104 = tpu.vector_load %arg13[%parallel_loop3A_102, %parallel_loop3A_103] {strides = array<i32>} : memref<80x64xf32, #tpu.memory_space<vmem>>, vector<16xf32>,
        tpu.vector_store %arg13[%parallel_loop3A_102, %parallel_loop3A_103], %parallel_loop3A_101 {strides = array<i32>} : memref<80x64xf32, #tpu.memory_space<vmem>>, vector<16xf32>,
        %parallel_loop3A_105 = arith.index_cast %parallel_loop3A_85 : i32 to index
        %parallel_loop3A_106 = arith.constant 32 : index
        %parallel_loop3A_107 = tpu.vector_load %arg13[%parallel_loop3A_105, %parallel_loop3A_106] {strides = array<i32>} : memref<80x64xf32, #tpu.memory_space<vmem>>, vector<16xf32>,
        %parallel_loop3A_108 = arith.mulf %parallel_loop3A_107, %parallel_loop3A_90 : vector<16xf32>
        %parallel_loop3A_109 = arith.index_cast %parallel_loop3A_85 : i32 to index
        %parallel_loop3A_110 = arith.constant 32 : index
        %parallel_loop3A_111 = tpu.vector_load %arg13[%parallel_loop3A_109, %parallel_loop3A_110] {strides = array<i32>} : memref<80x64xf32, #tpu.memory_space<vmem>>, vector<16xf32>,
        tpu.vector_store %arg13[%parallel_loop3A_109, %parallel_loop3A_110], %parallel_loop3A_108 {strides = array<i32>} : memref<80x64xf32, #tpu.memory_space<vmem>>, vector<16xf32>,
        %parallel_loop3A_112 = arith.index_cast %parallel_loop3A_85 : i32 to index
        %parallel_loop3A_113 = arith.constant 48 : index
        %parallel_loop3A_114 = tpu.vector_load %arg13[%parallel_loop3A_112, %parallel_loop3A_113] {strides = array<i32>} : memref<80x64xf32, #tpu.memory_space<vmem>>, vector<16xf32>,
        %parallel_loop3A_115 = arith.mulf %parallel_loop3A_114, %parallel_loop3A_90 : vector<16xf32>
        %parallel_loop3A_116 = arith.index_cast %parallel_loop3A_85 : i32 to index
        %parallel_loop3A_117 = arith.constant 48 : index
        %parallel_loop3A_118 = tpu.vector_load %arg13[%parallel_loop3A_116, %parallel_loop3A_117] {strides = array<i32>} : memref<80x64xf32, #tpu.memory_space<vmem>>, vector<16xf32>,
        tpu.vector_store %arg13[%parallel_loop3A_116, %parallel_loop3A_117], %parallel_loop3A_115 {strides = array<i32>} : memref<80x64xf32, #tpu.memory_space<vmem>>, vector<16xf32>,
      } {sc.loop_unroll_factor = 4 : i64, sc.parallel_access}
      %parallel_loop3A_59 = arith.constant 0 : i32
      %parallel_loop3A_60 = arith.constant 80 : i32
      %parallel_loop3A_61 = arith.constant 16 : i32
      scf.for %parallel_loop3A_85 = %parallel_loop3A_59 to %parallel_loop3A_60 step %parallel_loop3A_61  : i32 {
        %parallel_loop3A_86 = arith.constant 80 : i32
        %parallel_loop3A_87 = arith.muli %add3A_42, %parallel_loop3A_86 : i32
        %parallel_loop3A_88 = arith.addi %parallel_loop3A_87, %parallel_loop3A_85 : i32
        %parallel_loop3A_89 = arith.index_cast %parallel_loop3A_88 : i32 to index
        %parallel_loop3A_90 = tpu.vector_load %arg9[%parallel_loop3A_89] {strides = array<i32>} : memref<10000xi32, #tpu.memory_space<vmem>>, vector<16xi32>,
        %parallel_loop3A_91 = arith.index_cast %parallel_loop3A_85 : i32 to index
        %parallel_loop3A_92 = tpu.vector_load %arg11[%parallel_loop3A_91] {strides = array<i32>} : memref<80xi32, #tpu.memory_space<vmem>>, vector<16xi32>,
        tpu.vector_store %arg11[%parallel_loop3A_91], %parallel_loop3A_90 {strides = array<i32>} : memref<80xi32, #tpu.memory_space<vmem>>, vector<16xi32>,
      } {sc.loop_unroll_factor = 5 : i64, sc.parallel_access}
      "tpu.region"() ({
        %run_scoped3A = tpu.sem_alloc : memref<!tpu.dma_semaphore, #tpu.memory_space<semaphore_mem>>
        %dma_start3A_85 = arith.constant 0 : i32
        %dma_start3A_86 = arith.constant 0 : i32
        %dma_start3A_87 = tpu.memref_slice %arg15[%dma_start3A_85, %dma_start3A_86] : memref<10000x64xf32, #tpu.memory_space<vmem_shared>> -> memref<10000x64xf32, #tpu.memory_space<vmem_shared>>
        tpu.enqueue_indirect_dma source(%arg13 : memref<80x64xf32, #tpu.memory_space<vmem>>) target(%dma_start3A_87 : memref<10000x64xf32, #tpu.memory_space<vmem_shared>>) offsets(%arg11 : memref<80xi32, #tpu.memory_space<vmem>>) semaphore(%run_scoped3A : memref<!tpu.dma_semaphore, #tpu.memory_space<semaphore_mem>>) {add = true}
        %dma_wait3A_88 = arith.constant 0 : i32
        %dma_wait3A_89 = arith.constant 0 : i32
        %dma_wait3A_90 = tpu.memref_slice %arg15[%dma_wait3A_88, %dma_wait3A_89] : memref<10000x64xf32, #tpu.memory_space<vmem_shared>> -> memref<10000x64xf32, #tpu.memory_space<vmem_shared>>
        tpu.wait_indirect_dma semaphore(%run_scoped3A : memref<!tpu.dma_semaphore, #tpu.memory_space<semaphore_mem>>) src(%arg13 : memref<80x64xf32, #tpu.memory_space<vmem>>) dst(%dma_wait3A_90 : memref<10000x64xf32, #tpu.memory_space<vmem_shared>>)
        tpu.yield
      }) : () -> ()
      %add3A_62 = arith.constant 2 : i32
      %add3A_63 = arith.addi %add3A_42, %add3A_62 : i32
      %mul3A_64 = arith.constant 80 : i32
      %mul3A_65 = arith.muli %add3A_63, %mul3A_64 : i32
      %dma_start3A_66 = tpu.memref_slice %arg8[%mul3A_65] : memref<10000xi32, #tpu.memory_space<vmem>> -> memref<80xi32, #tpu.memory_space<vmem>>
      %dma_start3A_67 = arith.constant 0 : i32
      %dma_start3A_68 = arith.constant 0 : i32
      %dma_start3A_69 = tpu.memref_slice %arg2[%dma_start3A_67, %dma_start3A_68] : memref<10000x64xf32, #tpu.memory_space<hbm>> -> memref<10000x64xf32, #tpu.memory_space<hbm>>
      tpu.enqueue_indirect_dma source(%dma_start3A_69 : memref<10000x64xf32, #tpu.memory_space<hbm>>) target(%arg13 : memref<80x64xf32, #tpu.memory_space<vmem>>) offsets(%dma_start3A_66 : memref<80xi32, #tpu.memory_space<vmem>>) semaphore(%arg16 : memref<!tpu.dma_semaphore, #tpu.memory_space<semaphore_mem>>)
      %dma_wait3A_70 = arith.constant 0 : i32
      %dma_wait3A_71 = tpu.memref_slice %arg8[%dma_wait3A_70] : memref<10000xi32, #tpu.memory_space<vmem>> -> memref<80xi32, #tpu.memory_space<vmem>>
      %dma_wait3A_72 = arith.constant 0 : i32
      %dma_wait3A_73 = arith.constant 0 : i32
      %dma_wait3A_74 = tpu.memref_slice %arg2[%dma_wait3A_72, %dma_wait3A_73] : memref<10000x64xf32, #tpu.memory_space<hbm>> -> memref<10000x64xf32, #tpu.memory_space<hbm>>
      tpu.wait_indirect_dma semaphore(%arg17 : memref<!tpu.dma_semaphore, #tpu.memory_space<semaphore_mem>>) src(%dma_wait3A_74 : memref<10000x64xf32, #tpu.memory_space<hbm>>) dst(%arg14 : memref<80x64xf32, #tpu.memory_space<vmem>>)
      %add3A_75 = arith.constant 1 : i32
      %add3A_76 = arith.addi %add3A_42, %add3A_75 : i32
      %parallel_loop3A_77 = arith.constant 0 : i32
      %parallel_loop3A_78 = arith.constant 80 : i32
      %parallel_loop3A_79 = arith.constant 1 : i32
      scf.for %parallel_loop3A_85 = %parallel_loop3A_77 to %parallel_loop3A_78 step %parallel_loop3A_79  : i32 {
        %parallel_loop3A_86 = arith.constant 80 : i32
        %parallel_loop3A_87 = arith.muli %add3A_76, %parallel_loop3A_86 : i32
        %parallel_loop3A_88 = arith.addi %parallel_loop3A_87, %parallel_loop3A_85 : i32
        %parallel_loop3A_89 = vector.broadcast %parallel_loop3A_88 : i32 to vector<16xi32>
        %parallel_loop3A_90 = tpu.vector_load_idx %arg10[%parallel_loop3A_89] : memref<10000xf32, #tpu.memory_space<vmem>>[vector<16xi32>], vector<16xf32>,
        %parallel_loop3A_91 = arith.index_cast %parallel_loop3A_85 : i32 to index
        %parallel_loop3A_92 = arith.constant 0 : index
        %parallel_loop3A_93 = tpu.vector_load %arg14[%parallel_loop3A_91, %parallel_loop3A_92] {strides = array<i32>} : memref<80x64xf32, #tpu.memory_space<vmem>>, vector<16xf32>,
        %parallel_loop3A_94 = arith.mulf %parallel_loop3A_93, %parallel_loop3A_90 : vector<16xf32>
        %parallel_loop3A_95 = arith.index_cast %parallel_loop3A_85 : i32 to index
        %parallel_loop3A_96 = arith.constant 0 : index
        %parallel_loop3A_97 = tpu.vector_load %arg14[%parallel_loop3A_95, %parallel_loop3A_96] {strides = array<i32>} : memref<80x64xf32, #tpu.memory_space<vmem>>, vector<16xf32>,
        tpu.vector_store %arg14[%parallel_loop3A_95, %parallel_loop3A_96], %parallel_loop3A_94 {strides = array<i32>} : memref<80x64xf32, #tpu.memory_space<vmem>>, vector<16xf32>,
        %parallel_loop3A_98 = arith.index_cast %parallel_loop3A_85 : i32 to index
        %parallel_loop3A_99 = arith.constant 16 : index
        %parallel_loop3A_100 = tpu.vector_load %arg14[%parallel_loop3A_98, %parallel_loop3A_99] {strides = array<i32>} : memref<80x64xf32, #tpu.memory_space<vmem>>, vector<16xf32>,
        %parallel_loop3A_101 = arith.mulf %parallel_loop3A_100, %parallel_loop3A_90 : vector<16xf32>
        %parallel_loop3A_102 = arith.index_cast %parallel_loop3A_85 : i32 to index
        %parallel_loop3A_103 = arith.constant 16 : index
        %parallel_loop3A_104 = tpu.vector_load %arg14[%parallel_loop3A_102, %parallel_loop3A_103] {strides = array<i32>} : memref<80x64xf32, #tpu.memory_space<vmem>>, vector<16xf32>,
        tpu.vector_store %arg14[%parallel_loop3A_102, %parallel_loop3A_103], %parallel_loop3A_101 {strides = array<i32>} : memref<80x64xf32, #tpu.memory_space<vmem>>, vector<16xf32>,
        %parallel_loop3A_105 = arith.index_cast %parallel_loop3A_85 : i32 to index
        %parallel_loop3A_106 = arith.constant 32 : index
        %parallel_loop3A_107 = tpu.vector_load %arg14[%parallel_loop3A_105, %parallel_loop3A_106] {strides = array<i32>} : memref<80x64xf32, #tpu.memory_space<vmem>>, vector<16xf32>,
        %parallel_loop3A_108 = arith.mulf %parallel_loop3A_107, %parallel_loop3A_90 : vector<16xf32>
        %parallel_loop3A_109 = arith.index_cast %parallel_loop3A_85 : i32 to index
        %parallel_loop3A_110 = arith.constant 32 : index
        %parallel_loop3A_111 = tpu.vector_load %arg14[%parallel_loop3A_109, %parallel_loop3A_110] {strides = array<i32>} : memref<80x64xf32, #tpu.memory_space<vmem>>, vector<16xf32>,
        tpu.vector_store %arg14[%parallel_loop3A_109, %parallel_loop3A_110], %parallel_loop3A_108 {strides = array<i32>} : memref<80x64xf32, #tpu.memory_space<vmem>>, vector<16xf32>,
        %parallel_loop3A_112 = arith.index_cast %parallel_loop3A_85 : i32 to index
        %parallel_loop3A_113 = arith.constant 48 : index
        %parallel_loop3A_114 = tpu.vector_load %arg14[%parallel_loop3A_112, %parallel_loop3A_113] {strides = array<i32>} : memref<80x64xf32, #tpu.memory_space<vmem>>, vector<16xf32>,
        %parallel_loop3A_115 = arith.mulf %parallel_loop3A_114, %parallel_loop3A_90 : vector<16xf32>
        %parallel_loop3A_116 = arith.index_cast %parallel_loop3A_85 : i32 to index
        %parallel_loop3A_117 = arith.constant 48 : index
        %parallel_loop3A_118 = tpu.vector_load %arg14[%parallel_loop3A_116, %parallel_loop3A_117] {strides = array<i32>} : memref<80x64xf32, #tpu.memory_space<vmem>>, vector<16xf32>,
        tpu.vector_store %arg14[%parallel_loop3A_116, %parallel_loop3A_117], %parallel_loop3A_115 {strides = array<i32>} : memref<80x64xf32, #tpu.memory_space<vmem>>, vector<16xf32>,
      } {sc.loop_unroll_factor = 4 : i64, sc.parallel_access}
      %add3A_80 = arith.constant 1 : i32
      %add3A_81 = arith.addi %add3A_42, %add3A_80 : i32
      %parallel_loop3A_82 = arith.constant 0 : i32
      %parallel_loop3A_83 = arith.constant 80 : i32
      %parallel_loop3A_84 = arith.constant 16 : i32
      scf.for %parallel_loop3A_85 = %parallel_loop3A_82 to %parallel_loop3A_83 step %parallel_loop3A_84  : i32 {
        %parallel_loop3A_86 = arith.constant 80 : i32
        %parallel_loop3A_87 = arith.muli %add3A_81, %parallel_loop3A_86 : i32
        %parallel_loop3A_88 = arith.addi %parallel_loop3A_87, %parallel_loop3A_85 : i32
        %parallel_loop3A_89 = arith.index_cast %parallel_loop3A_88 : i32 to index
        %parallel_loop3A_90 = tpu.vector_load %arg9[%parallel_loop3A_89] {strides = array<i32>} : memref<10000xi32, #tpu.memory_space<vmem>>, vector<16xi32>,
        %parallel_loop3A_91 = arith.index_cast %parallel_loop3A_85 : i32 to index
        %parallel_loop3A_92 = tpu.vector_load %arg12[%parallel_loop3A_91] {strides = array<i32>} : memref<80xi32, #tpu.memory_space<vmem>>, vector<16xi32>,
        tpu.vector_store %arg12[%parallel_loop3A_91], %parallel_loop3A_90 {strides = array<i32>} : memref<80xi32, #tpu.memory_space<vmem>>, vector<16xi32>,
      } {sc.loop_unroll_factor = 5 : i64, sc.parallel_access}
      "tpu.region"() ({
        %run_scoped3A = tpu.sem_alloc : memref<!tpu.dma_semaphore, #tpu.memory_space<semaphore_mem>>
        %dma_start3A_85 = arith.constant 0 : i32
        %dma_start3A_86 = arith.constant 0 : i32
        %dma_start3A_87 = tpu.memref_slice %arg15[%dma_start3A_85, %dma_start3A_86] : memref<10000x64xf32, #tpu.memory_space<vmem_shared>> -> memref<10000x64xf32, #tpu.memory_space<vmem_shared>>
        tpu.enqueue_indirect_dma source(%arg14 : memref<80x64xf32, #tpu.memory_space<vmem>>) target(%dma_start3A_87 : memref<10000x64xf32, #tpu.memory_space<vmem_shared>>) offsets(%arg12 : memref<80xi32, #tpu.memory_space<vmem>>) semaphore(%run_scoped3A : memref<!tpu.dma_semaphore, #tpu.memory_space<semaphore_mem>>) {add = true}
        %dma_wait3A_88 = arith.constant 0 : i32
        %dma_wait3A_89 = arith.constant 0 : i32
        %dma_wait3A_90 = tpu.memref_slice %arg15[%dma_wait3A_88, %dma_wait3A_89] : memref<10000x64xf32, #tpu.memory_space<vmem_shared>> -> memref<10000x64xf32, #tpu.memory_space<vmem_shared>>
        tpu.wait_indirect_dma semaphore(%run_scoped3A : memref<!tpu.dma_semaphore, #tpu.memory_space<semaphore_mem>>) src(%arg14 : memref<80x64xf32, #tpu.memory_space<vmem>>) dst(%dma_wait3A_90 : memref<10000x64xf32, #tpu.memory_space<vmem_shared>>)
        tpu.yield
      }) : () -> ()
    }
    %scan3A_18 = arith.constant 62 : i32
    %dma_wait3A = arith.constant 0 : i32
    %dma_wait3A_19 = tpu.memref_slice %arg8[%dma_wait3A] : memref<10000xi32, #tpu.memory_space<vmem>> -> memref<80xi32, #tpu.memory_space<vmem>>
    %dma_wait3A_20 = arith.constant 0 : i32
    %dma_wait3A_21 = arith.constant 0 : i32
    %dma_wait3A_22 = tpu.memref_slice %arg2[%dma_wait3A_20, %dma_wait3A_21] : memref<10000x64xf32, #tpu.memory_space<hbm>> -> memref<10000x64xf32, #tpu.memory_space<hbm>>
    tpu.wait_indirect_dma semaphore(%arg16 : memref<!tpu.dma_semaphore, #tpu.memory_space<semaphore_mem>>) src(%dma_wait3A_22 : memref<10000x64xf32, #tpu.memory_space<hbm>>) dst(%arg13 : memref<80x64xf32, #tpu.memory_space<vmem>>)
    %parallel_loop3A = arith.constant 0 : i32
    %parallel_loop3A_23 = arith.constant 80 : i32
    %parallel_loop3A_24 = arith.constant 1 : i32
    scf.for %parallel_loop3A_38 = %parallel_loop3A to %parallel_loop3A_23 step %parallel_loop3A_24  : i32 {
      %parallel_loop3A_39 = arith.constant 9920 : i32
      %parallel_loop3A_40 = arith.addi %parallel_loop3A_39, %parallel_loop3A_38 : i32
      %parallel_loop3A_41 = vector.broadcast %parallel_loop3A_40 : i32 to vector<16xi32>
      %parallel_loop3A_42 = tpu.vector_load_idx %arg10[%parallel_loop3A_41] : memref<10000xf32, #tpu.memory_space<vmem>>[vector<16xi32>], vector<16xf32>,
      %parallel_loop3A_43 = arith.index_cast %parallel_loop3A_38 : i32 to index
      %parallel_loop3A_44 = arith.constant 0 : index
      %parallel_loop3A_45 = tpu.vector_load %arg13[%parallel_loop3A_43, %parallel_loop3A_44] {strides = array<i32>} : memref<80x64xf32, #tpu.memory_space<vmem>>, vector<16xf32>,
      %parallel_loop3A_46 = arith.mulf %parallel_loop3A_45, %parallel_loop3A_42 : vector<16xf32>
      %parallel_loop3A_47 = arith.index_cast %parallel_loop3A_38 : i32 to index
      %parallel_loop3A_48 = arith.constant 0 : index
      %parallel_loop3A_49 = tpu.vector_load %arg13[%parallel_loop3A_47, %parallel_loop3A_48] {strides = array<i32>} : memref<80x64xf32, #tpu.memory_space<vmem>>, vector<16xf32>,
      tpu.vector_store %arg13[%parallel_loop3A_47, %parallel_loop3A_48], %parallel_loop3A_46 {strides = array<i32>} : memref<80x64xf32, #tpu.memory_space<vmem>>, vector<16xf32>,
      %parallel_loop3A_50 = arith.index_cast %parallel_loop3A_38 : i32 to index
      %parallel_loop3A_51 = arith.constant 16 : index
      %parallel_loop3A_52 = tpu.vector_load %arg13[%parallel_loop3A_50, %parallel_loop3A_51] {strides = array<i32>} : memref<80x64xf32, #tpu.memory_space<vmem>>, vector<16xf32>,
      %parallel_loop3A_53 = arith.mulf %parallel_loop3A_52, %parallel_loop3A_42 : vector<16xf32>
      %parallel_loop3A_54 = arith.index_cast %parallel_loop3A_38 : i32 to index
      %parallel_loop3A_55 = arith.constant 16 : index
      %parallel_loop3A_56 = tpu.vector_load %arg13[%parallel_loop3A_54, %parallel_loop3A_55] {strides = array<i32>} : memref<80x64xf32, #tpu.memory_space<vmem>>, vector<16xf32>,
      tpu.vector_store %arg13[%parallel_loop3A_54, %parallel_loop3A_55], %parallel_loop3A_53 {strides = array<i32>} : memref<80x64xf32, #tpu.memory_space<vmem>>, vector<16xf32>,
      %parallel_loop3A_57 = arith.index_cast %parallel_loop3A_38 : i32 to index
      %parallel_loop3A_58 = arith.constant 32 : index
      %parallel_loop3A_59 = tpu.vector_load %arg13[%parallel_loop3A_57, %parallel_loop3A_58] {strides = array<i32>} : memref<80x64xf32, #tpu.memory_space<vmem>>, vector<16xf32>,
      %parallel_loop3A_60 = arith.mulf %parallel_loop3A_59, %parallel_loop3A_42 : vector<16xf32>
      %parallel_loop3A_61 = arith.index_cast %parallel_loop3A_38 : i32 to index
      %parallel_loop3A_62 = arith.constant 32 : index
      %parallel_loop3A_63 = tpu.vector_load %arg13[%parallel_loop3A_61, %parallel_loop3A_62] {strides = array<i32>} : memref<80x64xf32, #tpu.memory_space<vmem>>, vector<16xf32>,
      tpu.vector_store %arg13[%parallel_loop3A_61, %parallel_loop3A_62], %parallel_loop3A_60 {strides = array<i32>} : memref<80x64xf32, #tpu.memory_space<vmem>>, vector<16xf32>,
      %parallel_loop3A_64 = arith.index_cast %parallel_loop3A_38 : i32 to index
      %parallel_loop3A_65 = arith.constant 48 : index
      %parallel_loop3A_66 = tpu.vector_load %arg13[%parallel_loop3A_64, %parallel_loop3A_65] {strides = array<i32>} : memref<80x64xf32, #tpu.memory_space<vmem>>, vector<16xf32>,
      %parallel_loop3A_67 = arith.mulf %parallel_loop3A_66, %parallel_loop3A_42 : vector<16xf32>
      %parallel_loop3A_68 = arith.index_cast %parallel_loop3A_38 : i32 to index
      %parallel_loop3A_69 = arith.constant 48 : index
      %parallel_loop3A_70 = tpu.vector_load %arg13[%parallel_loop3A_68, %parallel_loop3A_69] {strides = array<i32>} : memref<80x64xf32, #tpu.memory_space<vmem>>, vector<16xf32>,
      tpu.vector_store %arg13[%parallel_loop3A_68, %parallel_loop3A_69], %parallel_loop3A_67 {strides = array<i32>} : memref<80x64xf32, #tpu.memory_space<vmem>>, vector<16xf32>,
    } {sc.loop_unroll_factor = 4 : i64, sc.parallel_access}
    %parallel_loop3A_25 = arith.constant 0 : i32
    %parallel_loop3A_26 = arith.constant 80 : i32
    %parallel_loop3A_27 = arith.constant 16 : i32
    scf.for %parallel_loop3A_38 = %parallel_loop3A_25 to %parallel_loop3A_26 step %parallel_loop3A_27  : i32 {
      %parallel_loop3A_39 = arith.constant 9920 : i32
      %parallel_loop3A_40 = arith.addi %parallel_loop3A_39, %parallel_loop3A_38 : i32
      %parallel_loop3A_41 = arith.index_cast %parallel_loop3A_40 : i32 to index
      %parallel_loop3A_42 = tpu.vector_load %arg9[%parallel_loop3A_41] {strides = array<i32>} : memref<10000xi32, #tpu.memory_space<vmem>>, vector<16xi32>,
      %parallel_loop3A_43 = arith.index_cast %parallel_loop3A_38 : i32 to index
      %parallel_loop3A_44 = tpu.vector_load %arg11[%parallel_loop3A_43] {strides = array<i32>} : memref<80xi32, #tpu.memory_space<vmem>>, vector<16xi32>,
      tpu.vector_store %arg11[%parallel_loop3A_43], %parallel_loop3A_42 {strides = array<i32>} : memref<80xi32, #tpu.memory_space<vmem>>, vector<16xi32>,
    } {sc.loop_unroll_factor = 5 : i64, sc.parallel_access}
    "tpu.region"() ({
      %run_scoped3A = tpu.sem_alloc : memref<!tpu.dma_semaphore, #tpu.memory_space<semaphore_mem>>
      %dma_start3A_38 = arith.constant 0 : i32
      %dma_start3A_39 = arith.constant 0 : i32
      %dma_start3A_40 = tpu.memref_slice %arg15[%dma_start3A_38, %dma_start3A_39] : memref<10000x64xf32, #tpu.memory_space<vmem_shared>> -> memref<10000x64xf32, #tpu.memory_space<vmem_shared>>
      tpu.enqueue_indirect_dma source(%arg13 : memref<80x64xf32, #tpu.memory_space<vmem>>) target(%dma_start3A_40 : memref<10000x64xf32, #tpu.memory_space<vmem_shared>>) offsets(%arg11 : memref<80xi32, #tpu.memory_space<vmem>>) semaphore(%run_scoped3A : memref<!tpu.dma_semaphore, #tpu.memory_space<semaphore_mem>>) {add = true}
      %dma_wait3A_41 = arith.constant 0 : i32
      %dma_wait3A_42 = arith.constant 0 : i32
      %dma_wait3A_43 = tpu.memref_slice %arg15[%dma_wait3A_41, %dma_wait3A_42] : memref<10000x64xf32, #tpu.memory_space<vmem_shared>> -> memref<10000x64xf32, #tpu.memory_space<vmem_shared>>
      tpu.wait_indirect_dma semaphore(%run_scoped3A : memref<!tpu.dma_semaphore, #tpu.memory_space<semaphore_mem>>) src(%arg13 : memref<80x64xf32, #tpu.memory_space<vmem>>) dst(%dma_wait3A_43 : memref<10000x64xf32, #tpu.memory_space<vmem_shared>>)
      tpu.yield
    }) : () -> ()
    %barrier3A_28 = arith.constant 0 : index
    tpu.barrier barrier_id(%barrier3A_28)
    %mul3A_29 = arith.constant 624 : i32
    %mul3A_30 = arith.muli %arg1, %mul3A_29 : i32
    %mul3A_31 = arith.constant 624 : i32
    %mul3A_32 = arith.muli %arg1, %mul3A_31 : i32
    "tpu.region"() ({
      %run_scoped3A = tpu.sem_alloc : memref<!tpu.dma_semaphore, #tpu.memory_space<semaphore_mem>>
      %dma_start3A_38 = arith.constant 0 : i32
      %dma_start3A_39 = arith.constant 0 : i32
      %dma_start3A_40 = tpu.memref_slice %arg7[%arg0, %dma_start3A_38, %dma_start3A_39] : memref<2x10000x64xf32, #tpu.memory_space<hbm>> -> memref<1x10000x64xf32, #tpu.memory_space<hbm>>
      %dma_start3A_41 = tpu.memref_squeeze %dma_start3A_40 : memref<1x10000x64xf32, #tpu.memory_space<hbm>> -> memref<10000x64xf32, #tpu.memory_space<hbm>>
      %dma_start3A_42 = arith.constant 0 : i32
      %dma_start3A_43 = tpu.memref_slice %dma_start3A_41[%mul3A_32, %dma_start3A_42] : memref<10000x64xf32, #tpu.memory_space<hbm>> -> memref<624x64xf32, #tpu.memory_space<hbm>>
      %dma_start3A_44 = arith.constant 0 : i32
      %dma_start3A_45 = tpu.memref_slice %arg15[%mul3A_30, %dma_start3A_44] : memref<10000x64xf32, #tpu.memory_space<vmem_shared>> -> memref<624x64xf32, #tpu.memory_space<vmem_shared>>
      tpu.enqueue_dma source(%dma_start3A_45 : memref<624x64xf32, #tpu.memory_space<vmem_shared>>) target(%dma_start3A_43 : memref<624x64xf32, #tpu.memory_space<hbm>>) target_semaphore(%run_scoped3A : memref<!tpu.dma_semaphore, #tpu.memory_space<semaphore_mem>>)
      %dma_wait3A_46 = arith.constant 0 : i32
      %dma_wait3A_47 = arith.constant 0 : i32
      %dma_wait3A_48 = tpu.memref_slice %arg7[%arg0, %dma_wait3A_46, %dma_wait3A_47] : memref<2x10000x64xf32, #tpu.memory_space<hbm>> -> memref<1x10000x64xf32, #tpu.memory_space<hbm>>
      %dma_wait3A_49 = tpu.memref_squeeze %dma_wait3A_48 : memref<1x10000x64xf32, #tpu.memory_space<hbm>> -> memref<10000x64xf32, #tpu.memory_space<hbm>>
      %dma_wait3A_50 = arith.constant 0 : i32
      %dma_wait3A_51 = tpu.memref_slice %dma_wait3A_49[%mul3A_32, %dma_wait3A_50] : memref<10000x64xf32, #tpu.memory_space<hbm>> -> memref<624x64xf32, #tpu.memory_space<hbm>>
      %dma_wait3A_52 = arith.constant 0 : i32
      %dma_wait3A_53 = tpu.memref_slice %arg15[%mul3A_30, %dma_wait3A_52] : memref<10000x64xf32, #tpu.memory_space<vmem_shared>> -> memref<624x64xf32, #tpu.memory_space<vmem_shared>>
      tpu.wait_dma2 semaphore(%run_scoped3A : memref<!tpu.dma_semaphore, #tpu.memory_space<semaphore_mem>>) src(%dma_wait3A_53 : memref<624x64xf32, #tpu.memory_space<vmem_shared>>) dst(%dma_wait3A_51 : memref<624x64xf32, #tpu.memory_space<hbm>>)
      tpu.yield
    }) : () -> ()
    %eq3A_33 = arith.constant 15 : i32
    %eq3A_34 = arith.cmpi eq, %arg1, %eq3A_33 : i32
    %convert_element_type3A_35 = arith.extui %eq3A_34 : i1 to i32
    %cond3A_36 = arith.constant 0 : i32
    %cond3A_37 = arith.cmpi ne, %convert_element_type3A_35, %cond3A_36 : i32
    scf.if %cond3A_37 {
      "tpu.region"() ({
        %run_scoped3A = tpu.sem_alloc : memref<!tpu.dma_semaphore, #tpu.memory_space<semaphore_mem>>
        %dma_start3A_38 = arith.constant 0 : i32
        %dma_start3A_39 = arith.constant 0 : i32
        %dma_start3A_40 = tpu.memref_slice %arg7[%arg0, %dma_start3A_38, %dma_start3A_39] : memref<2x10000x64xf32, #tpu.memory_space<hbm>> -> memref<1x10000x64xf32, #tpu.memory_space<hbm>>
        %dma_start3A_41 = tpu.memref_squeeze %dma_start3A_40 : memref<1x10000x64xf32, #tpu.memory_space<hbm>> -> memref<10000x64xf32, #tpu.memory_space<hbm>>
        %dma_start3A_42 = arith.constant 9984 : i32
        %dma_start3A_43 = arith.constant 0 : i32
        %dma_start3A_44 = tpu.memref_slice %dma_start3A_41[%dma_start3A_42, %dma_start3A_43] : memref<10000x64xf32, #tpu.memory_space<hbm>> -> memref<16x64xf32, #tpu.memory_space<hbm>>
        %dma_start3A_45 = arith.constant 9984 : i32
        %dma_start3A_46 = arith.constant 0 : i32
        %dma_start3A_47 = tpu.memref_slice %arg15[%dma_start3A_45, %dma_start3A_46] : memref<10000x64xf32, #tpu.memory_space<vmem_shared>> -> memref<16x64xf32, #tpu.memory_space<vmem_shared>>
        tpu.enqueue_dma source(%dma_start3A_47 : memref<16x64xf32, #tpu.memory_space<vmem_shared>>) target(%dma_start3A_44 : memref<16x64xf32, #tpu.memory_space<hbm>>) target_semaphore(%run_scoped3A : memref<!tpu.dma_semaphore, #tpu.memory_space<semaphore_mem>>)
        %dma_wait3A_48 = arith.constant 0 : i32
        %dma_wait3A_49 = arith.constant 0 : i32
        %dma_wait3A_50 = tpu.memref_slice %arg7[%arg0, %dma_wait3A_48, %dma_wait3A_49] : memref<2x10000x64xf32, #tpu.memory_space<hbm>> -> memref<1x10000x64xf32, #tpu.memory_space<hbm>>
        %dma_wait3A_51 = tpu.memref_squeeze %dma_wait3A_50 : memref<1x10000x64xf32, #tpu.memory_space<hbm>> -> memref<10000x64xf32, #tpu.memory_space<hbm>>
        %dma_wait3A_52 = arith.constant 9984 : i32
        %dma_wait3A_53 = arith.constant 0 : i32
        %dma_wait3A_54 = tpu.memref_slice %dma_wait3A_51[%dma_wait3A_52, %dma_wait3A_53] : memref<10000x64xf32, #tpu.memory_space<hbm>> -> memref<16x64xf32, #tpu.memory_space<hbm>>
        %dma_wait3A_55 = arith.constant 9984 : i32
        %dma_wait3A_56 = arith.constant 0 : i32
        %dma_wait3A_57 = tpu.memref_slice %arg15[%dma_wait3A_55, %dma_wait3A_56] : memref<10000x64xf32, #tpu.memory_space<vmem_shared>> -> memref<16x64xf32, #tpu.memory_space<vmem_shared>>
        tpu.wait_dma2 semaphore(%run_scoped3A : memref<!tpu.dma_semaphore, #tpu.memory_space<semaphore_mem>>) src(%dma_wait3A_57 : memref<16x64xf32, #tpu.memory_space<vmem_shared>>) dst(%dma_wait3A_54 : memref<16x64xf32, #tpu.memory_space<hbm>>)
        tpu.yield
      }) : () -> ()
    } else {
    }
    return
  }
}

module attributes {stable_mosaic.version = 14 : i64} {
  func.func @_mm1_body(%arg0: memref<10000x128xf32, #tpu.memory_space<vmem>>, %arg1: memref<128x128xf32, #tpu.memory_space<vmem>>, %arg2: memref<10000x128xf32, #tpu.memory_space<vmem>>) attributes {dimension_semantics = [], scalar_prefetch = 0 : i64, scratch_operands = 0 : i64, tpu.core_type = #tpu.core_type<tc>} {
    %get3A = arith.constant 0 : index
    %get3A_0 = arith.constant 0 : index
    %get3A_1 = vector.load %arg0[%get3A, %get3A_0] : memref<10000x128xf32, #tpu.memory_space<vmem>>, vector<10000x128xf32>
    %get3A_2 = arith.constant 0 : index
    %get3A_3 = arith.constant 0 : index
    %get3A_4 = vector.load %arg1[%get3A_2, %get3A_3] : memref<128x128xf32, #tpu.memory_space<vmem>>, vector<128x128xf32>
    %dot_general3A = arith.constant dense<0.000000e+00> : vector<10000x128xf32>
    %dot_general3A_5 = tpu.matmul %get3A_1, %get3A_4, %dot_general3A {dimension_numbers = #tpu.dot_dimension_numbers<[1], [0], [0], [1], [0, 0, 1, 1], [], []>, transpose_lhs_hint = false} : vector<10000x128xf32>, vector<128x128xf32>, vector<10000x128xf32> -> vector<10000x128xf32>
    %swap3A = arith.constant 0 : index
    %swap3A_6 = arith.constant 0 : index
    %swap3A_7 = vector.load %arg2[%swap3A, %swap3A_6] : memref<10000x128xf32, #tpu.memory_space<vmem>>, vector<10000x128xf32>
    tpu.vector_store %arg2[%swap3A, %swap3A_6], %dot_general3A_5 {strides = array<i32>} : memref<10000x128xf32, #tpu.memory_space<vmem>>, vector<10000x128xf32>,
    return
  }
}

module attributes {stable_mosaic.version = 14 : i64} {
  func.func @_mid_body(%arg0: memref<2x10000x128xf32, #tpu.memory_space<vmem>>, %arg1: memref<128xf32, #tpu.memory_space<vmem>>, %arg2: memref<128x64xf32, #tpu.memory_space<vmem>>, %arg3: memref<10000x64xf32, #tpu.memory_space<vmem>>) attributes {dimension_semantics = [], scalar_prefetch = 0 : i64, scratch_operands = 0 : i64, tpu.core_type = #tpu.core_type<tc>} {
    %get3A = arith.constant 0 : index
    %get3A_0 = arith.constant 0 : index
    %get3A_1 = arith.constant 0 : index
    %get3A_2 = vector.load %arg0[%get3A, %get3A_0, %get3A_1] : memref<2x10000x128xf32, #tpu.memory_space<vmem>>, vector<1x10000x128xf32>
    %get3A_3 = vector.shape_cast %get3A_2 : vector<1x10000x128xf32> to vector<10000x128xf32>
    %get3A_4 = arith.constant 1 : index
    %get3A_5 = arith.constant 0 : index
    %get3A_6 = arith.constant 0 : index
    %get3A_7 = vector.load %arg0[%get3A_4, %get3A_5, %get3A_6] : memref<2x10000x128xf32, #tpu.memory_space<vmem>>, vector<1x10000x128xf32>
    %get3A_8 = vector.shape_cast %get3A_7 : vector<1x10000x128xf32> to vector<10000x128xf32>
    %add3A = arith.addf %get3A_3, %get3A_8 : vector<10000x128xf32>
    %get3A_9 = arith.constant 0 : index
    %get3A_10 = vector.load %arg1[%get3A_9] : memref<128xf32, #tpu.memory_space<vmem>>, vector<128xf32>
    %broadcast_in_dim3A = vector.shape_cast %get3A_10 : vector<128xf32> to vector<1x128xf32>
    %add3A_11 = vector.broadcast %broadcast_in_dim3A : vector<1x128xf32> to vector<10000x128xf32>
    %add3A_12 = arith.addf %add3A, %add3A_11 : vector<10000x128xf32>
    %max3A = arith.constant 0.000000e+00 : f32
    %max3A_13 = vector.broadcast %max3A : f32 to vector<10000x128xf32>
    %max3A_14 = arith.maximumf %add3A_12, %max3A_13 : vector<10000x128xf32>
    %get3A_15 = arith.constant 0 : index
    %get3A_16 = arith.constant 0 : index
    %get3A_17 = vector.load %arg2[%get3A_15, %get3A_16] : memref<128x64xf32, #tpu.memory_space<vmem>>, vector<128x64xf32>
    %dot_general3A = arith.constant dense<0.000000e+00> : vector<10000x64xf32>
    %dot_general3A_18 = tpu.matmul %max3A_14, %get3A_17, %dot_general3A {dimension_numbers = #tpu.dot_dimension_numbers<[1], [0], [0], [1], [0, 0, 1, 1], [], []>, transpose_lhs_hint = false} : vector<10000x128xf32>, vector<128x64xf32>, vector<10000x64xf32> -> vector<10000x64xf32>
    %swap3A = arith.constant 0 : index
    %swap3A_19 = arith.constant 0 : index
    %swap3A_20 = vector.load %arg3[%swap3A, %swap3A_19] : memref<10000x64xf32, #tpu.memory_space<vmem>>, vector<10000x64xf32>
    tpu.vector_store %arg3[%swap3A, %swap3A_19], %dot_general3A_18 {strides = array<i32>} : memref<10000x64xf32, #tpu.memory_space<vmem>>, vector<10000x64xf32>,
    return
  }
}

module attributes {stable_mosaic.version = 14 : i64} {
  func.func @_final_body(%arg0: memref<2x10000x64xf32, #tpu.memory_space<vmem>>, %arg1: memref<64xf32, #tpu.memory_space<vmem>>, %arg2: memref<10000x64xf32, #tpu.memory_space<vmem>>) attributes {dimension_semantics = [], scalar_prefetch = 0 : i64, scratch_operands = 0 : i64, tpu.core_type = #tpu.core_type<tc>} {
    %get3A = arith.constant 0 : index
    %get3A_0 = arith.constant 0 : index
    %get3A_1 = arith.constant 0 : index
    %get3A_2 = vector.load %arg0[%get3A, %get3A_0, %get3A_1] : memref<2x10000x64xf32, #tpu.memory_space<vmem>>, vector<1x10000x64xf32>
    %get3A_3 = vector.shape_cast %get3A_2 : vector<1x10000x64xf32> to vector<10000x64xf32>
    %get3A_4 = arith.constant 1 : index
    %get3A_5 = arith.constant 0 : index
    %get3A_6 = arith.constant 0 : index
    %get3A_7 = vector.load %arg0[%get3A_4, %get3A_5, %get3A_6] : memref<2x10000x64xf32, #tpu.memory_space<vmem>>, vector<1x10000x64xf32>
    %get3A_8 = vector.shape_cast %get3A_7 : vector<1x10000x64xf32> to vector<10000x64xf32>
    %add3A = arith.addf %get3A_3, %get3A_8 : vector<10000x64xf32>
    %get3A_9 = arith.constant 0 : index
    %get3A_10 = vector.load %arg1[%get3A_9] : memref<64xf32, #tpu.memory_space<vmem>>, vector<64xf32>
    %broadcast_in_dim3A = vector.shape_cast %get3A_10 : vector<64xf32> to vector<1x64xf32>
    %add3A_11 = vector.broadcast %broadcast_in_dim3A : vector<1x64xf32> to vector<10000x64xf32>
    %add3A_12 = arith.addf %add3A, %add3A_11 : vector<10000x64xf32>
    %swap3A = arith.constant 0 : index
    %swap3A_13 = arith.constant 0 : index
    %swap3A_14 = vector.load %arg2[%swap3A, %swap3A_13] : memref<10000x64xf32, #tpu.memory_space<vmem>>, vector<10000x64xf32>
    tpu.vector_store %arg2[%swap3A, %swap3A_13], %add3A_12 {strides = array<i32>} : memref<10000x64xf32, #tpu.memory_space<vmem>>, vector<10000x64xf32>,
    return
  }
}

</mosaic_0001>

<sc_bundles>
// kernel: kernel.10.cloned.1.call-start
scs
__scs_entry_jumppad:
0x0: {  	(pc) =	sbr.rel $0x88, $3  }
0x1: {  	(tag) =	ssettag $0x0;
	lr =	simm.s32 $0x1  }
0x2: {  	[smem:$0x3F9A] =	sst lr;
	_ =	strace $0xD0000000  }
0x3: {  	_ = 	snop  }
0x4: {  	_ = 	snop  }
0x5: {  	_ = 	snop  }
0x6: {  	_ = 	snop  }
0x7: {  	_ = 	snop  }
__scs_overlays_trampoline_lowered:
0x8: {  	[smem:$0x3FA9] =	sst s0  }
0x9: {  	[smem:$0x3FAA] =	sst s1  }
0xa: {  	[smem:$0x3FAB] =	sst s2  }
0xb: {  	[smem:$0x3FAC] =	sst s3  }
0xc: {  	[smem:$0x3FAD] =	sst s4  }
0xd: {  	[smem:$0x3FAE] =	sst s5  }
0xe: {  	[smem:$0x3FAF] =	sst s6  }
0xf: {  	[smem:$0x3FB0] =	sst s7  }
0x10: {  	[smem:$0x3FB1] =	sst s8  }
0x11: {  	[smem:$0x3FB2] =	sst s9;
	s0 =	simm.s32 @!p0 $0x0  }
0x12: {  	s1 =	sld [smem:$0x3F98];
	s0 =	simm.s32 @p0 $0x1  }
0x13: {  	[smem:$0x3FB3] =	sst s0;
	s0 =	simm.s32 @!p1 $0x0  }
0x14: {  	s2 =	sld [smem:$0x3F97];
	s0 =	simm.s32 @p1 $0x1  }
0x15: {  	[smem:$0x3FB4] =	sst s0;
	s0 =	simm.s32 @!p2 $0x0  }
0x16: {  	s3 =	sld [smem:$0x3FDB];
	s0 =	simm.s32 @p2 $0x1  }
0x17: {  	s4 =	simm.s32 $0x1BF5;
	[smem:$0x3FB6] =	sst s0  }
0x18: {  	s0 =	sld [smem:$0x3F99];
	_ =	swait.ge [sflag:s4], $0x0  }
0x19: {  	s7 =	sld [smem:$0x3F9A]  }
0x1a: {  	s8 =	sadd.s32 $0xFFFFE003, lr  }
0x1b: {  	s9 =	sadd.s32 $0xFFFFFEF7, lr;
	s5 =	simm.s32 $0xFFFFFFFF;
	p2 =	slt.u32 s8, $0xFFFFF086  }
0x1c: {  	p1 =	slt.u32 s9, $0xF7A;
	s5 =	simm.s32 @!p2 $0x0  }
0x1d: {  	s5 =	simm.s32 @p1 $0x1;
	p0 =	seq.s32 s7, s2  }
0x1e: {  	s7 =	smul.u32 @!p0 $0xF7A, s2;
	p2 =	seq.s32 @!p0 s5, $0x0  }
0x1f: {  	s9 =	smul.u32 $0xF7A, s1;
	s8 =	simm.s32 @!p0 $0x1BF5;
	p2 =	por !p2, p0  }
0x20: {  	[sflag:s8] =	ssyncset.s32 @!p0 $0xFFFFF086;
	s6 =	sadd.s32 @!p0 s3, s7;
	s7 =	simm.s32 @!p0 $0x108  }
0x21: {  	s3 =	sadd.s32 s3, s9;
	s6 =	sadd.s32 @!p0 $0x88, s6;
	s7 =	simm.s32 @p2 $0x1082  }
0x22: {  	[simem:s7], [sflag:s8] =	dma.local @!p0 [hbm:s6], $0xF7A  }
0x23: {  	s9 =	sor.u32 $0xD0000000, s2;
	s6 =	simm.s32 $0x108;
	_ =	swait.ge @!p0 [sflag:s8], $0x0  }
0x24: {  	s3 =	sadd.s32 $0x88, s3;
	s6 =	simm.s32 @!p1 $0x1082;
	[sflag:s4] =	ssyncset.s32 $0xFFFFF086  }
0x25: {  	[simem:s6], [sflag:s4] =	dma.local [hbm:s3], $0xF7A  }
0x26: {  	[smem:$0x3F9A] =	sst s1;
	(tag) =	ssettag s2;
	_ =	strace s9  }
0x27: {  	s1 =	sld [smem:$0x3FAA]  }
0x28: {  	s2 =	sld [smem:$0x3FAB]  }
0x29: {  	s4 =	sld [smem:$0x3FAD]  }
0x2a: {  	p0 =	seq.s32 s5, $0x0;
	s5 =	sld [smem:$0x3FAE]  }
0x2b: {  	s6 =	sld [smem:$0x3FAF]  }
0x2c: {  	s7 =	sld [smem:$0x3FB0]  }
0x2d: {  	s3 =	simm.s32 $0x108;
	s8 =	sld [smem:$0x3FB1]  }
0x2e: {  	s3 =	simm.s32 @!p0 $0x1082;
	s9 =	sld [smem:$0x3FB2]  }
0x2f: {  	lr =	sadd.s32 s0, s3;
	s0 =	sld [smem:$0x3FA9]  }
0x30: {  	s3 =	sld [smem:$0x3FAC]  }
0x31: {  	[smem:$0x3FB5] =	sst s10  }
0x32: {  	s10 =	sld [smem:$0x3FB3];
	_ =	sdelay $0x3  }
0x33: {  	p0 =	seq.s32 s10, $0x1;
	s10 =	sld [smem:$0x3FB5];
	_ =	sdelay $0x3  }
0x34: {  	[smem:$0x3FB5] =	sst s10  }
0x35: {  	s10 =	sld [smem:$0x3FB4];
	_ =	sdelay $0x3  }
0x36: {  	p1 =	seq.s32 s10, $0x1;
	s10 =	sld [smem:$0x3FB5];
	_ =	sdelay $0x3  }
0x37: {  	[smem:$0x3FB5] =	sst s10  }
0x38: {  	s10 =	sld [smem:$0x3FB6]  }
0x39: {  	_ = 	snop;
	(pc) =	sbr.ind lr, $3  }
0x3a: {  	_ = 	snop  }
0x3b: {  	_ = 	snop  }
0x3c: {  	p2 =	seq.s32 s10, $0x1;
	s10 =	sld [smem:$0x3FB5]  }
0x3d: {  	_ =	shalt  }
0x3e: {  	_ =	shalt  }
0x3f: {  	_ =	shalt  }
0x40: {  	_ =	shalt  }
0x41: {  	_ =	shalt  }
0x42: {  	_ =	shalt  }
0x43: {  	_ =	shalt  }
0x44: {  	_ =	shalt  }
0x45: {  	_ =	shalt  }
0x46: {  	_ =	shalt  }
0x47: {  	_ =	shalt  }
0x48: {  	_ =	shalt  }
0x49: {  	_ =	shalt  }
0x4a: {  	_ =	shalt  }
0x4b: {  	_ =	shalt  }
0x4c: {  	_ =	shalt  }
0x4d: {  	_ =	shalt  }
0x4e: {  	_ =	shalt  }
0x4f: {  	_ =	shalt  }
0x50: {  	_ =	shalt  }
0x51: {  	_ =	shalt  }
0x52: {  	_ =	shalt  }
0x53: {  	_ =	shalt  }
0x54: {  	_ =	shalt  }
0x55: {  	_ =	shalt  }
0x56: {  	_ =	shalt  }
0x57: {  	_ =	shalt  }
0x58: {  	_ =	shalt  }
0x59: {  	_ =	shalt  }
0x5a: {  	_ =	shalt  }
0x5b: {  	_ =	shalt  }
0x5c: {  	_ =	shalt  }
0x5d: {  	_ =	shalt  }
0x5e: {  	_ =	shalt  }
0x5f: {  	_ =	shalt  }
0x60: {  	_ =	shalt  }
0x61: {  	_ =	shalt  }
0x62: {  	_ =	shalt  }
0x63: {  	_ =	shalt  }
0x64: {  	_ =	shalt  }
0x65: {  	_ =	shalt  }
0x66: {  	_ =	shalt  }
0x67: {  	_ =	shalt  }
0x68: {  	_ =	shalt  }
0x69: {  	_ =	shalt  }
0x6a: {  	_ =	shalt  }
0x6b: {  	_ =	shalt  }
0x6c: {  	_ =	shalt  }
0x6d: {  	_ =	shalt  }
0x6e: {  	_ =	shalt  }
0x6f: {  	_ =	shalt  }
0x70: {  	_ =	shalt  }
0x71: {  	_ =	shalt  }
0x72: {  	_ =	shalt  }
0x73: {  	_ =	shalt  }
0x74: {  	_ =	shalt  }
0x75: {  	_ =	shalt  }
0x76: {  	_ =	shalt  }
0x77: {  	_ =	shalt  }
0x78: {  	_ =	shalt  }
0x79: {  	_ =	shalt  }
0x7a: {  	_ =	shalt  }
0x7b: {  	_ =	shalt  }
0x7c: {  	_ =	shalt  }
0x7d: {  	_ =	shalt  }
0x7e: {  	_ =	shalt  }
0x7f: {  	_ =	shalt  }
0x80: {  	_ =	shalt  }
0x81: {  	_ =	shalt  }
0x82: {  	_ =	shalt  }
0x83: {  	_ =	shalt  }
0x84: {  	_ =	shalt  }
0x85: {  	_ =	shalt  }
0x86: {  	_ =	shalt  }
0x87: {  	_ =	shalt  }
.Lfunc_end0:
.L_simem_size_0:
called_computation.1_lowered:
.L_overlay_start_0:
0x88: {  	s2 =	sld [smem:$0x3FD9]  }
0x89: {  	s3 =	sld [smem:$0x3FFE];
	_ =	sdelay $0x1  }
0x8a: {  	s1 =	srdreg.scid  }
0x8b: {  	s0 =	sand.u32 $0x1, s1  }
0x8c: {  	s17 =	sshll.u32 s0, $0xA;
	s2 =	sadd.s32 s3, s2  }
0x8d: {  	s2 =	sadd.s32 s2, s17  }
0x8e: {  	[smem:$0x3FC1] =	sst s2  }
0x8f: {  	_ = 	snop  }
0x90: {  	s2 =	sld [smem:$0x3FC7]  }
0x91: {  	s18 =	sld [smem:$0x3FD0];
	(tm) =	ssettm $0x1  }
0x92: {  	s4 =	sld [smem:$0x3FFB];
	_ =	sdelay $0x3  }
0x93: {  	_ =	strace s4  }
0x94: {  	s4 =	sld [smem:$0x3FFC];
	_ =	sdelay $0x3  }
0x95: {  	_ =	strace s4  }
0x96: {  	s4 =	sld [smem:$0x3FFD];
	_ =	sdelay $0x3  }
0x97: {  	_ =	strace s4  }
0x98: {  	_ =	strace $0x8FFFFFFF  }
0x99: {  	s19 =	sld [smem:$0x3FDB];
	_ =	sdelay $0x1  }
0x9a: {  	s5 =	simm.s32 $_scs_section_size  }
0x9b: {  	s6 =	simm.s32 $_size__tile_overlayer_lowered;
	s7 =	simm.s32 $_tile_overlayer_lowered  }
0x9c: {  	s22 =	simm.s32 $0x1BFF;
	s21 =	sshll.u32 s7, $0x1;
	s4 =	sadd.s32 s5, s19  }
0x9d: {  	s8 =	simm.s32 $0x0;
	s20 =	sshll.u32 s6, $0x1;
	s6 =	sadd.s32 s21, s4  }
0x9e: {  	[timem:s8], [sflag:s22] =	dma.local [hbm:s6], s20  }
0x9f: {  	_ =	swait.ge [sflag:s22], s20  }
0xa0: {  	s5 =	ssub.s32 $0x0, s20;
	[sflag:s22] =	ssyncset.done $0x0  }
0xa1: {  	[sflag:s22] =	ssyncadd.s32 s5;
	_ =	sdelay $0x1  }
0xa2: {  	s23 =	simm.s32 $0x1B8B  }
0xa3: {  	_ =	swait.ge [sflag:s23], $0x1  }
0xa4: {  	[sflag:s23] =	ssyncset.done $0x0  }
0xa5: {  	s25 =	simm.s32 $0x1B8E;
	s24 =	sld [smem:$0x3FFE];
	[sflag:s23] =	ssyncadd.s32 $0xFFFFFFFF  }
0xa6: {  	s26 =	simm.s32 $execute0_lowered;
	[smem:$0x3FD2] =	sst s25  }
0xa7: {  	s6 =	sshll.u32 s26, $0x1;
	_ =	strace $0x80000049;
	[dreg:$0x1] =	wrdreg $0xFFFFFFFF  }
0xa8: {  	s28 =	simm.s32 $_size_execute0_lowered;
	s4 =	sadd.s32 s4, s6;
	[dreg:$0x0] =	wrdreg $0x0  }
0xa9: {  	s6 =	sshll.u32 s28, $0x1;
	[dreg:$0x2] =	wrdreg s4  }
0xaa: {  	[dreg:$0x3] =	wrdreg s6  }
0xab: {  	[dreg:$0x4] =	wrdreg $0xC0  }
0xac: {  	_ =	task [dreg:s8], $0x5FFFF  }
0xad: {  	[dreg:$0x1] =	wrdreg $0xFFFFFFFF  }
0xae: {  	[dreg:$0x0] =	wrdreg $0x60  }
0xaf: {  	[dreg:$0x2] =	wrdreg s18  }
0xb0: {  	[dreg:$0x3] =	wrdreg s24  }
0xb1: {  	[dreg:$0x4] =	wrdreg s2  }
0xb2: {  	[dreg:$0x5] =	wrdreg $0x9DD00  }
0xb3: {  	[dreg:$0x6] =	wrdreg $0x9  }
0xb4: {  	_ =	task.clear_ibuf [dreg:s8], $0x7FFFF;
	_ =	strace $0x90000049  }
0xb5: {  	s29 =	simm.s32 $0x9;
	_ =	strace $0x8000004B  }
0xb6: {  	_ =	swait.ge [sflag:s29], $0x1  }
0xb7: {  	[sflag:s29] =	ssyncadd.s32 $0xFFFFFFFF  }
0xb8: {  	_ =	strace $0x9000004B  }
0xb9: {  	_ =	sfence  }
0xba: {  	s30 =	sld [smem:$0x0];
	_ =	sdelay $0x2  }
0xbb: {  	s31 =	sshll.u32 s1, $0xD;
	s1 =	sshrl.u32 s1, $0x2  }
0xbc: {  	s3 =	sand.u32 $0x4000, s31;
	s1 =	sadd.s32 s1, s30  }
0xbd: {  	s0 =	sor.u32 s3, s0;
	s1 =	sshll.u32 s1, $0x11  }
0xbe: {  	s0 =	sor.u32 s1, s0  }
0xbf: {  	s0 =	sadd.s32 $0x8F2B, s0  }
0xc0: {  	[sflag:s0] =	ssyncadd.remote.s32 $0x1  }
0xc1: {  	_ =	sfence.sel $0xFFFF  }
0xc2: {  	[dreg:$0x0] =	wrdreg $0xFFFFFFFF;
	(pc) =	sbr.abs _section_cstart, $3  }
0xc3: {  	[dreg:$0x1] =	wrdreg $0xFFFFFFFF  }
0xc4: {  	_ =	task.clear_ibuf [dreg:s8], $0x2FFFF;
	_ =	strace $0x9FFFFFFF  }
0xc5: {  	(tm) =	ssettm $0x7FFFFFFF  }
tec
execute0_lowered:
.L_overlay_start_1:
0x0: {  	(tag) =	ssettag $0x1  }
0x1: {  	s0 =	rddreg [dreg:$0x0]  }
0x2: {  	s1 =	rddreg [dreg:$0x1]  }
0x3: {  	s8 =	rddreg [dreg:$0x2]  }
0x4: {  	s2 =	srdreg.scid;
	s3 =	rddreg [dreg:$0x3]  }
0x5: {  	s12 =	stileid.u32;
	s4 =	simm.s32 $0x0;
	s13 =	simm.s32 $0x4E20  }
0x6: {  	s17 =	simm.s32 $0x50;
	s18 =	simm.s32 $0x75D0;
	s19 =	simm.s32 $0x89D0  }
0x7: {  	s20 =	simm.s32 $0x1;
	s21 =	simm.s32 $0x7530;
	s22 =	simm.s32 $0x2  }
0x8: {  	s23 =	simm.s32 $0x7580;
	s25 =	simm.s32 $0x0;
	s2 =	sand.u32 $0x1, s2  }
0x9: {  	[smem:$0x7FF] =	sst s4;
	s11 =	smul.u32 $0x9C00, s12;
	s16 =	sadd.s32 $0x9C000, s3  }
0xa: {  	p0 =	sne.s32 s12, $0xF;
	s31 =	sshll.u32 s12, $0x6;
	s5 =	sshll.u32 s2, $0x4  }
0xb: {  	_ =	strace $0x8000004A;
	s6 =	smul.u32 $0x13880, s2;
	s2 =	ssub.s32 $0x2, s2  }
0xc: {  	s14 =	sor.u32 $0x1C03, s31;
	s16 =	sshrl.u32 @!p0 s16, $0x3;
	s5 =	sor.u32 s12, s5  }
0xd: {  	s10 =	sshrl.u32 s2, $0x1;
	s15 =	sadd.s32 s11, s3;
	s9 =	smul.u32 $0x4E2, s5  }
0xe: {  	s30 =	sshrl.u32 s11, $0x3;
	s11 =	simm.s32 $0x3;
	s5 =	sadd.s32 $0x14A00, s1  }
0xf: {  	s2 =	ssub.s32 s2, s10;
	s15 =	sshrl.u32 s15, $0x3;
	s7 =	sadd.s32 s9, s1  }
0x10: {  	s1 =	sadd.s32 s6, s1;
	s8 =	sadd.s32 s8, s9;
	s28 =	sadd.s32 $0xAC00, s7  }
0x11: {  	s29 =	sadd.s32 $0xE00, s7;
	s9 =	sadd.s32 $0x15E00, s1;
	[dreg:$0x5] =	wrdreg s28  }
0x12: {  	s10 =	smax.u32 s2, $0x1;
	[dreg:$0x6] =	wrdreg s29;
	s24 =	sadd.s32 s30, s9  }
.LBB2_1:
0x13: {  	s1 =	rddreg [dreg:$0x5]  }
0x14: {  	[tilespmem:s4], [sflag:$0x3] =	stream.linear.gather [hbm4b:s1+s4], $0x2710, $0x38;
	[tilespmem:$0x13A10] =	vst v63  }
0x15: {  	_ =	swait.ge [sflag:s11], $0x2710  }
0x16: {  	[sflag:s11] =	ssyncset.done $0x0  }
0x17: {  	s2 =	simm.s32 $0x2710;
	s31 =	rddreg [dreg:$0x6];
	[sflag:s11] =	ssyncadd.s32 $0xFFFFD8F0  }
0x18: {  	[tilespmem:s2], [sflag:$0x3] =	stream.linear.gather [hbm4b:s31+s4], $0x2710, $0x38;
	[tilespmem:$0x13A10] =	vst v63  }
0x19: {  	_ =	swait.ge [sflag:s11], $0x2710  }
0x1a: {  	[sflag:s11] =	ssyncset.done $0x0  }
0x1b: {  	[sflag:s11] =	ssyncadd.s32 $0xFFFFD8F0  }
0x1c: {  	[tilespmem:s13], [sflag:$0x3] =	stream.linear.gather [hbm4b:s8+s4], $0x2710, $0x38;
	[tilespmem:$0x13A10] =	vst v63  }
0x1d: {  	_ =	swait.ge [sflag:s11], $0x2710  }
0x1e: {  	[sflag:s11] =	ssyncset.done $0x0  }
0x1f: {  	[sflag:s11] =	ssyncadd.s32 $0xFFFFD8F0  }
0x20: {  	[spmem:s15], [sflag:s14] =	dma.local [hbm:s5], $0x1380  }
0x21: {  	_ =	swait.ge [sflag:s11], $0x1380  }
0x22: {  	[sflag:s11] =	ssyncset.done $0x0  }
0x23: {  	s1 =	simm.s32 @!p0 $0x3;
	[sflag:s11] =	ssyncadd.s32 $0xFFFFEC80  }
0x24: {  	[spmem:s16], [sflag:s14] =	dma.local @!p0 [hbm:s5], $0x80  }
0x25: {  	_ =	swait.ge @!p0 [sflag:s1], $0x80  }
0x26: {  	[sflag:s1] =	ssyncset.done @!p0 $0x0  }
0x27: {  	[sflag:s1] =	ssyncadd.s32 @!p0 $0xFFFFFF80  }
0x28: {  	s26 =	simm.s32 $0x0;
	s28 =	simm.s32 $0x0;
	[bflag:$0x0] =	sbarrier.arrive $0xFFFF  }
0x29: {  	[tilespmem:s18], [sflag:$0x1] =	stream.indirect.gather [hbm4b:s0+s17], $0x40, s4, s17, $0xb8;
	[tilespmem:$0x13A10] =	vst v63  }
.LBB2_2:
0x2a: {  	s1 =	sadd.s32 $0xFFFFFFFC, s26  }
0x2b: {  	s29 =	smul.u32 $0xA0, s28;
	s2 =	sadd.s32 $0x6, s1  }
0x2c: {  	v0 =	vmov s2  }
0x2d: {  	s7 =	sadd.s32 $0x4, s1;
	s30 =	sadd.s32 $0x50, s29;
	v0 =	vand.u32 $0xFFFFFFFE, v0  }
0x2e: {  	[tilespmem:s19], [sflag:$0x2] =	stream.indirect.gather [hbm4b:s0+s17], $0x40, s30, s17, $0xb8;
	v0 =	vbroadcast v0, $0x0;
	[tilespmem:$0x13A10] =	vst v63  }
0x2f: {  	v1 =	vmov s7;
	_ =	swait.ge [sflag:s20], $0x1400  }
0x30: {  	v1 =	vand.u32 $0xFFFFFFFC, v1;
	[sflag:s20] =	ssyncset.done $0x0  }
0x31: {  	s31 =	simm.s32 $0x7650;
	s12 =	sadd.s32 $0x5, s1;
	v3 =	vbroadcast v1, $0x0;
	[sflag:s20] =	ssyncadd.s32 $0xFFFFEC00  }
0x32: {  	s1 =	sadd.s32 $0x7, s1;
	v2 =	vmov s12;
	v5 =	vld [tilespmem:s31+$0x30]  }
0x33: {  	v4 =	vmov s1;
	v1 =	vand.u32 $0xFFFFFFFD, v2;
	v8 =	vld [tilespmem:s31+$0xFFFFFF80]  }
0x34: {  	v2 =	vbroadcast v1, $0x0;
	v1 =	vld.idx.msk [tilespmem:v0+s13+$0x0], $0xffff  }
0x35: {  	v7 =	vld [tilespmem:s31+$0xFFFFFF90]  }
0x36: {  	v6 =	vld [tilespmem:s31+$0xFFFFFFA0]  }
0x37: {  	v3 =	vld.idx.msk [tilespmem:v3+s13+$0x0], $0xffff  }
0x38: {  	v0 =	vld.idx.msk [tilespmem:v4+s13+$0x0], $0xffff  }
0x39: {  	v4 =	vld [tilespmem:s31+$0xFFFFFFB0];
	v5 =	vmul.f32 v5, v1  }
0x3a: {  	v2 =	vld.idx.msk [tilespmem:v2+s13+$0x0], $0xffff  }
0x3b: {  	s2 =	simm.s32 $0x0;
	s1 =	simm.s32 $0x7650;
	[tilespmem:s31+$0x30] =	vst v5;
	v5 =	vld [tilespmem:s31+$0xFFFFFFC0]  }
.LBB2_3:
0x3c: {  	s12 =	sadd.s32 s2, s26;
	s2 =	sadd.s32 $0x4, s2;
	v8 =	vmul.f32 v8, v3;
	v9 =	vld [tilespmem:s31+$0xFFFFFFD0]  }
0x3d: {  	s6 =	sadd.s32 $0x4, s12;
	s7 =	sadd.s32 $0x6, s12;
	p1 =	slt.u32 s2, $0x4C;
	v7 =	vmul.f32 v7, v3;
	v10 =	vld [tilespmem:s31+$0xFFFFFFE0]  }
0x3e: {  	v11 =	vmov s6;
	s6 =	sadd.s32 $0x5, s12;
	v12 =	vmov s7;
	s7 =	sadd.s32 $0x7, s12;
	[tilespmem:s31+$0xFFFFFF80] =	vst v8;
	v6 =	vmul.f32 v6, v3;
	v8 =	vld [tilespmem:s31+$0xFFFFFFF0]  }
0x3f: {  	v11 =	vand.u32 $0xFFFFFFFC, v11;
	v13 =	vmov s6;
	v12 =	vand.u32 $0xFFFFFFFE, v12;
	[tilespmem:s31+$0xFFFFFF90] =	vst v7;
	v7 =	vld [tilespmem:s31+$0x0]  }
0x40: {  	v11 =	vbroadcast v11, $0x0;
	v13 =	vand.u32 $0xFFFFFFFD, v13;
	v12 =	vbroadcast v12, $0x0;
	[tilespmem:s31+$0xFFFFFFA0] =	vst v6;
	v6 =	vld [tilespmem:s31+$0x10]  }
0x41: {  	v14 =	vmov s7;
	v3 =	vmul.f32 v4, v3;
	v13 =	vbroadcast v13, $0x0;
	v4 =	vld [tilespmem:s31+$0x20]  }
0x42: {  	v5 =	vmul.f32 v5, v2;
	v9 =	vmul.f32 v9, v2;
	v15 =	vld [tilespmem:s31+$0x40]  }
0x43: {  	[tilespmem:s31+$0xFFFFFFB0] =	vst v3;
	v3 =	vmul.f32 v10, v2;
	v2 =	vmul.f32 v8, v2;
	v8 =	vld [tilespmem:s31+$0x50]  }
0x44: {  	[tilespmem:s31+$0xFFFFFFC0] =	vst v5;
	v5 =	vmul.f32 v7, v1;
	v7 =	vld [tilespmem:s31+$0x60]  }
0x45: {  	[tilespmem:s31+$0xFFFFFFD0] =	vst v9;
	v6 =	vmul.f32 v6, v1;
	v9 =	vld [tilespmem:s31+$0x70]  }
0x46: {  	s31 =	sadd.s32 $0x100, s31;
	[tilespmem:s1+$0xFFFFFFE0] =	vst v3;
	v4 =	vmul.f32 v4, v1;
	v1 =	vld.idx.msk [tilespmem:v12+s13+$0x0], $0xffff  }
0x47: {  	v10 =	vld [tilespmem:s31+$0x30];
	[tilespmem:s1+$0xFFFFFFF0] =	vst v2;
	v12 =	vmul.f32 v15, v0  }
0x48: {  	v3 =	vld.idx.msk [tilespmem:v11+s13+$0x0], $0xffff;
	[tilespmem:s1+$0x0] =	vst v5;
	v5 =	vmul.f32 v8, v0  }
0x49: {  	v2 =	vld.idx.msk [tilespmem:v13+s13+$0x0], $0xffff;
	[tilespmem:s1+$0x10] =	vst v6;
	v11 =	vmul.f32 v7, v0  }
0x4a: {  	[tilespmem:s1+$0x20] =	vst v4;
	v9 =	vmul.f32 v9, v0;
	v0 =	vld.idx.msk [tilespmem:v14+s13+$0x0], $0xffff  }
.Ltmp0:
0x4b: {  	v8 =	vld [tilespmem:s31+$0xFFFFFF80];
	[tilespmem:s1+$0x40] =	vst v12;
	(pc) =	sbr.rel @p1 .LBB2_3-.Ltmp0, $4  }
0x4c: {  	v7 =	vld [tilespmem:s31+$0xFFFFFF90];
	v10 =	vmul.f32 v10, v1;
	[tilespmem:s1+$0x50] =	vst v5  }
0x4d: {  	v6 =	vld [tilespmem:s31+$0xFFFFFFA0];
	[tilespmem:s1+$0x60] =	vst v11  }
0x4e: {  	v4 =	vld [tilespmem:s31+$0xFFFFFFB0];
	[tilespmem:s31+$0x30] =	vst v10  }
0x4f: {  	v5 =	vld [tilespmem:s31+$0xFFFFFFC0];
	[tilespmem:s1+$0x70] =	vst v9;
	s1 =	smov.u32 s31  }
0x50: {  	v8 =	vmul.f32 v8, v3;
	v9 =	vld [tilespmem:s31+$0xFFFFFFD0]  }
0x51: {  	v10 =	vld [tilespmem:s31+$0xFFFFFFE0];
	v7 =	vmul.f32 v7, v3  }
0x52: {  	[tilespmem:s31+$0xFFFFFF80] =	vst v8;
	v6 =	vmul.f32 v6, v3;
	v8 =	vld [tilespmem:s31+$0xFFFFFFF0]  }
0x53: {  	[tilespmem:s31+$0xFFFFFF90] =	vst v7;
	v7 =	vld [tilespmem:s31+$0x0];
	v3 =	vmul.f32 v4, v3  }
0x54: {  	v4 =	vld [tilespmem:s31+$0x10];
	[tilespmem:s31+$0xFFFFFFA0] =	vst v6;
	v5 =	vmul.f32 v5, v2  }
0x55: {  	v6 =	vld [tilespmem:s31+$0x20];
	v9 =	vmul.f32 v9, v2;
	[tilespmem:s31+$0xFFFFFFB0] =	vst v3  }
0x56: {  	v3 =	vld [tilespmem:s31+$0x40];
	v10 =	vmul.f32 v10, v2;
	[tilespmem:s31+$0xFFFFFFC0] =	vst v5  }
0x57: {  	v5 =	vld [tilespmem:s31+$0x50];
	v2 =	vmul.f32 v8, v2;
	[tilespmem:s31+$0xFFFFFFD0] =	vst v9  }
0x58: {  	v8 =	vld [tilespmem:s31+$0x60];
	v7 =	vmul.f32 v7, v1;
	[tilespmem:s1+$0xFFFFFFE0] =	vst v10  }
0x59: {  	v9 =	vld [tilespmem:s31+$0x70];
	v4 =	vmul.f32 v4, v1;
	[tilespmem:s1+$0xFFFFFFF0] =	vst v2  }
0x5a: {  	v1 =	vmul.f32 v6, v1;
	[tilespmem:s1+$0x0] =	vst v7  }
0x5b: {  	v2 =	vmul.f32 v3, v0;
	[tilespmem:s1+$0x10] =	vst v4  }
0x5c: {  	v3 =	vmul.f32 v5, v0;
	[tilespmem:s1+$0x20] =	vst v1  }
0x5d: {  	v1 =	vmul.f32 v8, v0;
	[tilespmem:s1+$0x40] =	vst v2  }
0x5e: {  	v0 =	vmul.f32 v9, v0;
	[tilespmem:s1+$0x50] =	vst v3  }
0x5f: {  	[tilespmem:s1+$0x60] =	vst v1  }
0x60: {  	[tilespmem:s1+$0x70] =	vst v0  }
0x61: {  	v0 =	vld [tilespmem:s29+$0x2710]  }
0x62: {  	v1 =	vld [tilespmem:s29+$0x2720]  }
0x63: {  	v2 =	vld [tilespmem:s29+$0x2730]  }
0x64: {  	v3 =	vld [tilespmem:s29+$0x2740]  }
0x65: {  	v4 =	vld [tilespmem:s29+$0x2750]  }
0x66: {  	[tilespmem:$0x7530] =	vst v0  }
0x67: {  	[tilespmem:$0x7540] =	vst v1  }
0x68: {  	[tilespmem:$0x7550] =	vst v2  }
0x69: {  	s1 =	sadd.s32 $0xFFFFFFFC, s26;
	[tilespmem:$0x7560] =	vst v3  }
0x6a: {  	s6 =	smul.u32 $0x280, s28;
	s2 =	sadd.s32 $0x56, s1;
	[tilespmem:$0x7570] =	vst v4  }
0x6b: {  	v0 =	vmov s2;
	[spmem:s3] =	stream.indirect.scatter.add.f32 [tilespmem:s18], [sflag:$0x3], $0x40, s21, s17, $0xb8;
	[tilespmem:$0x13A10] =	vst v63  }
0x6c: {  	s7 =	sadd.s32 $0x54, s1;
	v0 =	vand.u32 $0xFFFFFFFE, v0;
	_ =	swait.ge [sflag:s11], $0x1400  }
0x6d: {  	s6 =	sshra.s32 s6, $0x2;
	s12 =	sadd.s32 $0x55, s1;
	v1 =	vmov s7;
	v0 =	vbroadcast v0, $0x0;
	[sflag:s11] =	ssyncset.done $0x0  }
0x6e: {  	s6 =	sadd.s32 $0xA0, s6;
	v2 =	vmov s12;
	v1 =	vand.u32 $0xFFFFFFFC, v1;
	[sflag:s11] =	ssyncadd.s32 $0xFFFFEC00  }
0x6f: {  	v3 =	vbroadcast v1, $0x0;
	v1 =	vand.u32 $0xFFFFFFFD, v2;
	[tilespmem:s18], [sflag:$0x1] =	stream.indirect.gather [hbm4b:s0+s17], $0x40, s6, s17, $0xb8;
	[tilespmem:$0x13A10] =	vst v63  }
0x70: {  	v2 =	vbroadcast v1, $0x0;
	_ =	swait.ge [sflag:s22], $0x1400  }
0x71: {  	s1 =	sadd.s32 $0x57, s1;
	[sflag:s22] =	ssyncset.done $0x0  }
0x72: {  	v4 =	vmov s1;
	[sflag:s22] =	ssyncadd.s32 $0xFFFFEC00  }
0x73: {  	s31 =	simm.s32 $0x8A50;
	v1 =	vld.idx.msk [tilespmem:v0+s13+$0x0], $0xffff  }
0x74: {  	v5 =	vld [tilespmem:s31+$0x30]  }
0x75: {  	v3 =	vld.idx.msk [tilespmem:v3+s13+$0x0], $0xffff  }
0x76: {  	v2 =	vld.idx.msk [tilespmem:v2+s13+$0x0], $0xffff  }
0x77: {  	v0 =	vld.idx.msk [tilespmem:v4+s13+$0x0], $0xffff  }
0x78: {  	v8 =	vld [tilespmem:s31+$0xFFFFFF80]  }
0x79: {  	v7 =	vld [tilespmem:s31+$0xFFFFFF90]  }
0x7a: {  	v6 =	vld [tilespmem:s31+$0xFFFFFFA0];
	v5 =	vmul.f32 v5, v1  }
0x7b: {  	v4 =	vld [tilespmem:s31+$0xFFFFFFB0]  }
0x7c: {  	s2 =	simm.s32 $0x0;
	s1 =	simm.s32 $0x8A50;
	[tilespmem:s31+$0x30] =	vst v5;
	v5 =	vld [tilespmem:s31+$0xFFFFFFC0]  }
.LBB2_5:
0x7d: {  	s6 =	sadd.s32 s2, s26;
	s2 =	sadd.s32 $0x4, s2;
	v8 =	vmul.f32 v8, v3;
	v9 =	vld [tilespmem:s31+$0xFFFFFFD0]  }
0x7e: {  	s7 =	sadd.s32 $0x54, s6;
	s12 =	sadd.s32 $0x56, s6;
	p1 =	slt.u32 s2, $0x4C;
	v7 =	vmul.f32 v7, v3;
	v10 =	vld [tilespmem:s31+$0xFFFFFFE0]  }
0x7f: {  	v11 =	vmov s7;
	s7 =	sadd.s32 $0x55, s6;
	v12 =	vmov s12;
	s6 =	sadd.s32 $0x57, s6;
	[tilespmem:s31+$0xFFFFFF80] =	vst v8;
	v6 =	vmul.f32 v6, v3;
	v8 =	vld [tilespmem:s31+$0xFFFFFFF0]  }
0x80: {  	v11 =	vand.u32 $0xFFFFFFFC, v11;
	v13 =	vmov s7;
	v12 =	vand.u32 $0xFFFFFFFE, v12;
	[tilespmem:s31+$0xFFFFFF90] =	vst v7;
	v7 =	vld [tilespmem:s31+$0x0]  }
0x81: {  	v11 =	vbroadcast v11, $0x0;
	v13 =	vand.u32 $0xFFFFFFFD, v13;
	v12 =	vbroadcast v12, $0x0;
	[tilespmem:s31+$0xFFFFFFA0] =	vst v6;
	v6 =	vld [tilespmem:s31+$0x10]  }
0x82: {  	v14 =	vmov s6;
	v3 =	vmul.f32 v4, v3;
	v13 =	vbroadcast v13, $0x0;
	v4 =	vld [tilespmem:s31+$0x20]  }
0x83: {  	v5 =	vmul.f32 v5, v2;
	v9 =	vmul.f32 v9, v2;
	v15 =	vld [tilespmem:s31+$0x40]  }
0x84: {  	[tilespmem:s31+$0xFFFFFFB0] =	vst v3;
	v3 =	vmul.f32 v10, v2;
	v2 =	vmul.f32 v8, v2;
	v8 =	vld [tilespmem:s31+$0x50]  }
0x85: {  	[tilespmem:s31+$0xFFFFFFC0] =	vst v5;
	v5 =	vmul.f32 v7, v1;
	v7 =	vld [tilespmem:s31+$0x60]  }
0x86: {  	[tilespmem:s31+$0xFFFFFFD0] =	vst v9;
	v6 =	vmul.f32 v6, v1;
	v9 =	vld [tilespmem:s31+$0x70]  }
0x87: {  	s31 =	sadd.s32 $0x100, s31;
	[tilespmem:s1+$0xFFFFFFE0] =	vst v3;
	v4 =	vmul.f32 v4, v1;
	v1 =	vld.idx.msk [tilespmem:v12+s13+$0x0], $0xffff  }
0x88: {  	v10 =	vld [tilespmem:s31+$0x30];
	[tilespmem:s1+$0xFFFFFFF0] =	vst v2;
	v12 =	vmul.f32 v15, v0  }
0x89: {  	v3 =	vld.idx.msk [tilespmem:v11+s13+$0x0], $0xffff;
	[tilespmem:s1+$0x0] =	vst v5;
	v5 =	vmul.f32 v8, v0  }
0x8a: {  	v2 =	vld.idx.msk [tilespmem:v13+s13+$0x0], $0xffff;
	[tilespmem:s1+$0x10] =	vst v6;
	v11 =	vmul.f32 v7, v0  }
0x8b: {  	[tilespmem:s1+$0x20] =	vst v4;
	v9 =	vmul.f32 v9, v0;
	v0 =	vld.idx.msk [tilespmem:v14+s13+$0x0], $0xffff  }
.Ltmp1:
0x8c: {  	v8 =	vld [tilespmem:s31+$0xFFFFFF80];
	[tilespmem:s1+$0x40] =	vst v12;
	(pc) =	sbr.rel @p1 .LBB2_5-.Ltmp1, $4  }
0x8d: {  	v7 =	vld [tilespmem:s31+$0xFFFFFF90];
	v10 =	vmul.f32 v10, v1;
	[tilespmem:s1+$0x50] =	vst v5  }
0x8e: {  	v6 =	vld [tilespmem:s31+$0xFFFFFFA0];
	[tilespmem:s1+$0x60] =	vst v11  }
0x8f: {  	v4 =	vld [tilespmem:s31+$0xFFFFFFB0];
	[tilespmem:s31+$0x30] =	vst v10  }
0x90: {  	v5 =	vld [tilespmem:s31+$0xFFFFFFC0];
	[tilespmem:s1+$0x70] =	vst v9;
	s1 =	smov.u32 s31  }
0x91: {  	v8 =	vmul.f32 v8, v3;
	v9 =	vld [tilespmem:s31+$0xFFFFFFD0]  }
0x92: {  	v50 =	vld [tilespmem:s31+$0x0];
	v7 =	vmul.f32 v7, v3  }
0x93: {  	v52 =	vld [tilespmem:s31+$0x10];
	[tilespmem:s31+$0xFFFFFF80] =	vst v8;
	v6 =	vmul.f32 v6, v3  }
0x94: {  	v53 =	vld [tilespmem:s31+$0x20];
	[tilespmem:s31+$0xFFFFFF90] =	vst v7;
	v51 =	vmul.f32 v4, v3  }
0x95: {  	v54 =	vld [tilespmem:s31+$0x40];
	[tilespmem:s31+$0xFFFFFFA0] =	vst v6;
	v5 =	vmul.f32 v5, v2  }
0x96: {  	v56 =	vld [tilespmem:s31+$0x50];
	v9 =	vmul.f32 v9, v2;
	[tilespmem:s31+$0xFFFFFFB0] =	vst v51  }
0x97: {  	v57 =	vld [tilespmem:s31+$0x60];
	v7 =	vmul.f32 v50, v1;
	[tilespmem:s31+$0xFFFFFFC0] =	vst v5  }
0x98: {  	v58 =	vld [tilespmem:s31+$0x70];
	v4 =	vmul.f32 v52, v1;
	[tilespmem:s31+$0xFFFFFFD0] =	vst v9  }
0x99: {  	v10 =	vld [tilespmem:s31+$0xFFFFFFE0];
	v59 =	vmul.f32 v53, v1;
	[tilespmem:s1+$0x0] =	vst v7  }
0x9a: {  	v49 =	vld [tilespmem:s31+$0xFFFFFFF0];
	v60 =	vmul.f32 v54, v0;
	[tilespmem:s1+$0x10] =	vst v4  }
0x9b: {  	v61 =	vmul.f32 v56, v0;
	[tilespmem:s1+$0x20] =	vst v59  }
0x9c: {  	v62 =	vmul.f32 v57, v0;
	[tilespmem:s1+$0x40] =	vst v60  }
0x9d: {  	v63 =	vmul.f32 v58, v0;
	[tilespmem:s1+$0x50] =	vst v61  }
0x9e: {  	v10 =	vmul.f32 v10, v2;
	[tilespmem:s1+$0x60] =	vst v62  }
0x9f: {  	v55 =	vmul.f32 v49, v2;
	[tilespmem:s1+$0x70] =	vst v63  }
0xa0: {  	[tilespmem:s1+$0xFFFFFFE0] =	vst v10  }
0xa1: {  	[tilespmem:s1+$0xFFFFFFF0] =	vst v55  }
0xa2: {  	v0 =	vld [tilespmem:s30+$0x2710]  }
0xa3: {  	v1 =	vld [tilespmem:s29+$0x2770]  }
0xa4: {  	v2 =	vld [tilespmem:s29+$0x2780]  }
0xa5: {  	v3 =	vld [tilespmem:s29+$0x2790]  }
0xa6: {  	v4 =	vld [tilespmem:s29+$0x27A0]  }
0xa7: {  	[tilespmem:$0x7580] =	vst v0  }
0xa8: {  	[tilespmem:$0x7590] =	vst v1  }
0xa9: {  	s28 =	sadd.s32 $0x1, s28;
	[tilespmem:$0x75A0] =	vst v2  }
0xaa: {  	p1 =	sne.s32 s28, $0x3E;
	[tilespmem:$0x75B0] =	vst v3  }
.Ltmp2:
0xab: {  	[tilespmem:$0x75C0] =	vst v4;
	(pc) =	sbr.rel @p1 .LBB2_2-.Ltmp2, $4  }
0xac: {  	[spmem:s3] =	stream.indirect.scatter.add.f32 [tilespmem:s19], [sflag:$0x3], $0x40, s23, s17, $0xb8;
	[tilespmem:$0x13A10] =	vst v63  }
0xad: {  	_ =	swait.ge [sflag:s11], $0x1400  }
0xae: {  	[sflag:s11] =	ssyncset.done $0x0  }
0xaf: {  	s26 =	sadd.s32 $0xA0, s26;
	[sflag:s11] =	ssyncadd.s32 $0xFFFFEC00  }
0xb0: {  	s1 =	simm.s32 $0x26C0  }
0xb1: {  	v0 =	vmov s1  }
0xb2: {  	s31 =	simm.s32 $0x26C2;
	v0 =	vand.u32 $0xFFFFFFFC, v0  }
0xb3: {  	v3 =	vbroadcast v0, $0x0;
	v0 =	vmov s31  }
0xb4: {  	s2 =	simm.s32 $0x26C3;
	v0 =	vand.u32 $0xFFFFFFFE, v0  }
0xb5: {  	_ =	swait.ge [sflag:s20], $0x1400;
	v1 =	vmov s2;
	v4 =	vbroadcast v0, $0x0  }
0xb6: {  	[sflag:s20] =	ssyncset.done $0x0  }
0xb7: {  	s26 =	simm.s32 $0x7650;
	[sflag:s20] =	ssyncadd.s32 $0xFFFFEC00  }
0xb8: {  	s6 =	simm.s32 $0x26C1;
	v9 =	vld [tilespmem:s26+$0xFFFFFF80]  }
0xb9: {  	v2 =	vmov s6;
	v8 =	vld [tilespmem:s26+$0xFFFFFF90]  }
0xba: {  	v2 =	vand.u32 $0xFFFFFFFD, v2;
	v0 =	vld.idx.msk [tilespmem:v1+s13+$0x0], $0xffff  }
0xbb: {  	v2 =	vbroadcast v2, $0x0;
	v1 =	vld.idx.msk [tilespmem:v4+s13+$0x0], $0xffff  }
0xbc: {  	v4 =	vld [tilespmem:s26+$0x30]  }
0xbd: {  	v3 =	vld.idx.msk [tilespmem:v3+s13+$0x0], $0xffff  }
0xbe: {  	v7 =	vld [tilespmem:s26+$0xFFFFFFA0]  }
0xbf: {  	v6 =	vld [tilespmem:s26+$0xFFFFFFB0]  }
0xc0: {  	v5 =	vld [tilespmem:s26+$0xFFFFFFC0]  }
0xc1: {  	v2 =	vld.idx.msk [tilespmem:v2+s13+$0x0], $0xffff;
	v10 =	vmul.f32 v4, v1  }
0xc2: {  	s28 =	simm.s32 $0x0;
	s1 =	simm.s32 $0x7650;
	v9 =	vmul.f32 v9, v3;
	v4 =	vld [tilespmem:s26+$0xFFFFFFD0]  }
.LBB2_8:
0xc3: {  	s2 =	sadd.s32 $0x26C7, s28;
	v8 =	vmul.f32 v8, v3;
	v11 =	vld [tilespmem:s26+$0xFFFFFFE0];
	[tilespmem:s26+$0x30] =	vst v10  }
0xc4: {  	s6 =	sadd.s32 $0x26C4, s28;
	s7 =	sadd.s32 $0x26C5, s28;
	v10 =	vmov s2;
	[tilespmem:s26+$0xFFFFFF80] =	vst v9;
	v7 =	vmul.f32 v7, v3;
	v9 =	vld [tilespmem:s26+$0xFFFFFFF0]  }
0xc5: {  	v12 =	vmov s6;
	v13 =	vmov s7;
	[tilespmem:s26+$0xFFFFFF90] =	vst v8;
	v3 =	vmul.f32 v6, v3;
	v6 =	vld [tilespmem:s26+$0x0]  }
0xc6: {  	s2 =	sadd.s32 $0x26C6, s28;
	s28 =	sadd.s32 $0x4, s28;
	v8 =	vand.u32 $0xFFFFFFFC, v12;
	v12 =	vand.u32 $0xFFFFFFFD, v13;
	[tilespmem:s26+$0xFFFFFFA0] =	vst v7;
	v5 =	vmul.f32 v5, v2;
	v7 =	vld [tilespmem:s26+$0x10]  }
0xc7: {  	v13 =	vmov s2;
	p1 =	slt.u32 s28, $0x4C;
	v8 =	vbroadcast v8, $0x0;
	[tilespmem:s26+$0xFFFFFFB0] =	vst v3;
	v3 =	vmul.f32 v4, v2;
	v4 =	vld [tilespmem:s26+$0x20]  }
0xc8: {  	v12 =	vbroadcast v12, $0x0;
	v13 =	vand.u32 $0xFFFFFFFE, v13;
	[tilespmem:s26+$0xFFFFFFC0] =	vst v5;
	v5 =	vmul.f32 v11, v2;
	v11 =	vld [tilespmem:s26+$0x40]  }
0xc9: {  	v13 =	vbroadcast v13, $0x0;
	[tilespmem:s26+$0xFFFFFFD0] =	vst v3;
	v2 =	vmul.f32 v9, v2;
	v9 =	vld [tilespmem:s26+$0x50]  }
0xca: {  	[tilespmem:s26+$0xFFFFFFE0] =	vst v5;
	v3 =	vmul.f32 v6, v1;
	v5 =	vld [tilespmem:s26+$0x60]  }
0xcb: {  	[tilespmem:s26+$0xFFFFFFF0] =	vst v2;
	v2 =	vmul.f32 v7, v1;
	v6 =	vld [tilespmem:s26+$0x70]  }
0xcc: {  	v7 =	vld.idx.msk [tilespmem:v10+s13+$0x0], $0xffff;
	[tilespmem:s26+$0x0] =	vst v3;
	v1 =	vmul.f32 v4, v1  }
0xcd: {  	v3 =	vld.idx.msk [tilespmem:v8+s13+$0x0], $0xffff;
	[tilespmem:s26+$0x10] =	vst v2;
	v4 =	vmul.f32 v11, v0  }
0xce: {  	v2 =	vld.idx.msk [tilespmem:v12+s13+$0x0], $0xffff;
	[tilespmem:s26+$0x20] =	vst v1;
	v8 =	vmul.f32 v9, v0  }
0xcf: {  	s26 =	sadd.s32 $0x100, s26;
	v1 =	vld.idx.msk [tilespmem:v13+s13+$0x0], $0xffff;
	[tilespmem:s1+$0x40] =	vst v4;
	v4 =	vmul.f32 v5, v0  }
0xd0: {  	v9 =	vld [tilespmem:s26+$0x30];
	[tilespmem:s1+$0x50] =	vst v8;
	v5 =	vmul.f32 v6, v0  }
0xd1: {  	v11 =	vld [tilespmem:s26+$0xFFFFFF80];
	[tilespmem:s1+$0x60] =	vst v4  }
.Ltmp3:
0xd2: {  	v0 =	vmov v7;
	v8 =	vld [tilespmem:s26+$0xFFFFFF90];
	[tilespmem:s1+$0x70] =	vst v5;
	s1 =	smov.u32 s26;
	(pc) =	sbr.rel @p1 .LBB2_8-.Ltmp3, $4  }
0xd3: {  	v7 =	vld [tilespmem:s26+$0xFFFFFFA0]  }
0xd4: {  	v6 =	vld [tilespmem:s26+$0xFFFFFFB0]  }
0xd5: {  	v5 =	vld [tilespmem:s26+$0xFFFFFFC0];
	v10 =	vmul.f32 v9, v1  }
0xd6: {  	v9 =	vmul.f32 v11, v3;
	v4 =	vld [tilespmem:s26+$0xFFFFFFD0]  }
0xd7: {  	v8 =	vmul.f32 v8, v3;
	v11 =	vld [tilespmem:s26+$0xFFFFFFE0];
	[tilespmem:s26+$0x30] =	vst v10  }
0xd8: {  	v43 =	vld [tilespmem:s26+$0xFFFFFFF0];
	[tilespmem:s26+$0xFFFFFF80] =	vst v9;
	v7 =	vmul.f32 v7, v3  }
0xd9: {  	v45 =	vld [tilespmem:s26+$0x0];
	[tilespmem:s26+$0xFFFFFF90] =	vst v8;
	v44 =	vmul.f32 v6, v3  }
0xda: {  	v46 =	vld [tilespmem:s26+$0x10];
	[tilespmem:s26+$0xFFFFFFA0] =	vst v7;
	v5 =	vmul.f32 v5, v2  }
0xdb: {  	v48 =	vld [tilespmem:s26+$0x20];
	[tilespmem:s26+$0xFFFFFFB0] =	vst v44;
	v47 =	vmul.f32 v4, v2  }
0xdc: {  	v50 =	vld [tilespmem:s26+$0x40];
	[tilespmem:s26+$0xFFFFFFC0] =	vst v5;
	v49 =	vmul.f32 v11, v2  }
0xdd: {  	v52 =	vld [tilespmem:s26+$0x50];
	v51 =	vmul.f32 v43, v2;
	[tilespmem:s26+$0xFFFFFFD0] =	vst v47  }
0xde: {  	v54 =	vld [tilespmem:s26+$0x60];
	v53 =	vmul.f32 v45, v1;
	[tilespmem:s26+$0xFFFFFFE0] =	vst v49  }
0xdf: {  	v56 =	vld [tilespmem:s26+$0x70];
	v55 =	vmul.f32 v46, v1;
	[tilespmem:s26+$0xFFFFFFF0] =	vst v51  }
0xe0: {  	v57 =	vmul.f32 v48, v1;
	[tilespmem:s26+$0x0] =	vst v53  }
0xe1: {  	v58 =	vmul.f32 v50, v0;
	[tilespmem:s26+$0x10] =	vst v55  }
0xe2: {  	v59 =	vmul.f32 v52, v0;
	[tilespmem:s26+$0x20] =	vst v57  }
0xe3: {  	v60 =	vmul.f32 v54, v0;
	[tilespmem:s1+$0x40] =	vst v58  }
0xe4: {  	v61 =	vmul.f32 v56, v0;
	[tilespmem:s1+$0x50] =	vst v59  }
0xe5: {  	[tilespmem:s1+$0x60] =	vst v60  }
0xe6: {  	[tilespmem:s1+$0x70] =	vst v61  }
0xe7: {  	v0 =	vld [tilespmem:$0x4DD0]  }
0xe8: {  	v1 =	vld [tilespmem:$0x4DE0]  }
0xe9: {  	v2 =	vld [tilespmem:$0x4DF0]  }
0xea: {  	v62 =	vld [tilespmem:$0x4E00]  }
0xeb: {  	v63 =	vld [tilespmem:$0x4E10]  }
0xec: {  	[tilespmem:$0x7530] =	vst v0  }
0xed: {  	[tilespmem:$0x7540] =	vst v1  }
0xee: {  	[tilespmem:$0x7550] =	vst v2  }
0xef: {  	[tilespmem:$0x7560] =	vst v62  }
0xf0: {  	[tilespmem:$0x7570] =	vst v63  }
0xf1: {  	[spmem:s3] =	stream.indirect.scatter.add.f32 [tilespmem:s18], [sflag:$0x3], $0x40, s21, s17, $0xb8;
	[tilespmem:$0x13A10] =	vst v63  }
0xf2: {  	_ =	swait.ge [sflag:s11], $0x1400  }
0xf3: {  	[sflag:s11] =	ssyncset.done $0x0  }
0xf4: {  	[sflag:s11] =	ssyncadd.s32 $0xFFFFEC00  }
0xf5: {  	[bflag:$0x0] =	sbarrier.arrive $0xFFFF  }
0xf6: {  	[hbm:s24], [sflag:s14] =	dma.local [spmem:s15], $0x1380  }
0xf7: {  	_ =	swait.ge [sflag:s11], $0x1380  }
0xf8: {  	s25 =	sadd.s32 $0x1, s25;
	[sflag:s11] =	ssyncset.done $0x0  }
0xf9: {  	p1 =	sne.s32 s25, s10;
	s1 =	sadd.s32 @!p0 $0x13800, s9;
	[sflag:s11] =	ssyncadd.s32 $0xFFFFEC80  }
0xfa: {  	[hbm:s1], [sflag:s14] =	dma.local @!p0 [spmem:s16], $0x80  }
.Ltmp4:
0xfb: {  	_ = 	snop;
	(pc) =	sbr.rel @p1 .LBB2_1-.Ltmp4, $4  }
0xfc: {  	s1 =	simm.s32 @!p0 $0x3  }
0xfd: {  	_ =	swait.ge @!p0 [sflag:s1], $0x80  }
0xfe: {  	[sflag:s1] =	ssyncset.done @!p0 $0x0  }
0xff: {  	[sflag:s1] =	ssyncadd.s32 @!p0 $0xFFFFFF80  }
0x100: {  	_ =	sfence.sel $0x180000  }
0x101: {  	[bflag:$0x0] =	sbarrier.arrive $0xFFFF  }
0x102: {  	_ =	strace $0x9000004A  }
0x103: {  	s0 =	stileid.u32;
	[bflag:$0x2] =	sbarrier.arrive $0xFFFF  }
0x104: {  	p0 =	sne.s32 s0, $0x0;
	s0 =	rddreg [dreg:$0x4]  }
0x105: {  	s0 =	sadd.s32 @!p0 $0x100000, s0  }
0x106: {  	[sflag:s0] =	ssyncadd.tile.s32 @!p0 $0x1;
	_ =	shalt  }
.Lfunc_end2:
_tile_overlayer_lowered:
.L_overlay_start_2:
0x107: {  	(tag) =	ssettag $0x2  }
0x108: {  	s0 =	rddreg [dreg:$0x0];
	s2 =	stileid.u32  }
0x109: {  	s1 =	rddreg [dreg:$0x1];
	p0 =	sne.s32 s2, $0x0  }
0x10a: {  	s3 =	rddreg [dreg:$0x2];
	[bflag:$0x3] =	sbarrier.arrive $0xFFFF;
	s2 =	simm.s32 @!p0 $0x1C03  }
0x10b: {  	[timem:s3], [sflag:s2] =	dma.local @!p0 [hbm:s0], s1  }
0x10c: {  	s0 =	simm.s32 @!p0 $0x3  }
0x10d: {  	_ =	swait.ge @!p0 [sflag:s0], s1  }
0x10e: {  	s1 =	ssub.s32 @!p0 $0x0, s1;
	[sflag:s0] =	ssyncset.done @!p0 $0x0  }
0x10f: {  	[sflag:s0] =	ssyncadd.s32 @!p0 s1  }
0x110: {  	[bflag:$0x3] =	sbarrier.arrive $0xFFFF  }
0x111: {  	_ =	shalt  }

// kernel: kernel.7.cloned.1.call-start
scs
__scs_entry_jumppad:
0x0: {  	(pc) =	sbr.rel $0x88, $3  }
0x1: {  	(tag) =	ssettag $0x0;
	lr =	simm.s32 $0x1  }
0x2: {  	[smem:$0x3F9A] =	sst lr;
	_ =	strace $0xD0000000  }
0x3: {  	_ = 	snop  }
0x4: {  	_ = 	snop  }
0x5: {  	_ = 	snop  }
0x6: {  	_ = 	snop  }
0x7: {  	_ = 	snop  }
__scs_overlays_trampoline_lowered:
0x8: {  	[smem:$0x3FA9] =	sst s0  }
0x9: {  	[smem:$0x3FAA] =	sst s1  }
0xa: {  	[smem:$0x3FAB] =	sst s2  }
0xb: {  	[smem:$0x3FAC] =	sst s3  }
0xc: {  	[smem:$0x3FAD] =	sst s4  }
0xd: {  	[smem:$0x3FAE] =	sst s5  }
0xe: {  	[smem:$0x3FAF] =	sst s6  }
0xf: {  	[smem:$0x3FB0] =	sst s7  }
0x10: {  	[smem:$0x3FB1] =	sst s8  }
0x11: {  	[smem:$0x3FB2] =	sst s9;
	s0 =	simm.s32 @!p0 $0x0  }
0x12: {  	s1 =	sld [smem:$0x3F98];
	s0 =	simm.s32 @p0 $0x1  }
0x13: {  	[smem:$0x3FB3] =	sst s0;
	s0 =	simm.s32 @!p1 $0x0  }
0x14: {  	s2 =	sld [smem:$0x3F97];
	s0 =	simm.s32 @p1 $0x1  }
0x15: {  	[smem:$0x3FB4] =	sst s0;
	s0 =	simm.s32 @!p2 $0x0  }
0x16: {  	s3 =	sld [smem:$0x3FDB];
	s0 =	simm.s32 @p2 $0x1  }
0x17: {  	s4 =	simm.s32 $0x1BF5;
	[smem:$0x3FB6] =	sst s0  }
0x18: {  	s0 =	sld [smem:$0x3F99];
	_ =	swait.ge [sflag:s4], $0x0  }
0x19: {  	s7 =	sld [smem:$0x3F9A]  }
0x1a: {  	s8 =	sadd.s32 $0xFFFFE003, lr  }
0x1b: {  	s9 =	sadd.s32 $0xFFFFFEF7, lr;
	s5 =	simm.s32 $0xFFFFFFFF;
	p2 =	slt.u32 s8, $0xFFFFF086  }
0x1c: {  	p1 =	slt.u32 s9, $0xF7A;
	s5 =	simm.s32 @!p2 $0x0  }
0x1d: {  	s5 =	simm.s32 @p1 $0x1;
	p0 =	seq.s32 s7, s2  }
0x1e: {  	s7 =	smul.u32 @!p0 $0xF7A, s2;
	p2 =	seq.s32 @!p0 s5, $0x0  }
0x1f: {  	s9 =	smul.u32 $0xF7A, s1;
	s8 =	simm.s32 @!p0 $0x1BF5;
	p2 =	por !p2, p0  }
0x20: {  	[sflag:s8] =	ssyncset.s32 @!p0 $0xFFFFF086;
	s6 =	sadd.s32 @!p0 s3, s7;
	s7 =	simm.s32 @!p0 $0x108  }
0x21: {  	s3 =	sadd.s32 s3, s9;
	s6 =	sadd.s32 @!p0 $0x88, s6;
	s7 =	simm.s32 @p2 $0x1082  }
0x22: {  	[simem:s7], [sflag:s8] =	dma.local @!p0 [hbm:s6], $0xF7A  }
0x23: {  	s9 =	sor.u32 $0xD0000000, s2;
	s6 =	simm.s32 $0x108;
	_ =	swait.ge @!p0 [sflag:s8], $0x0  }
0x24: {  	s3 =	sadd.s32 $0x88, s3;
	s6 =	simm.s32 @!p1 $0x1082;
	[sflag:s4] =	ssyncset.s32 $0xFFFFF086  }
0x25: {  	[simem:s6], [sflag:s4] =	dma.local [hbm:s3], $0xF7A  }
0x26: {  	[smem:$0x3F9A] =	sst s1;
	(tag) =	ssettag s2;
	_ =	strace s9  }
0x27: {  	s1 =	sld [smem:$0x3FAA]  }
0x28: {  	s2 =	sld [smem:$0x3FAB]  }
0x29: {  	s4 =	sld [smem:$0x3FAD]  }
0x2a: {  	p0 =	seq.s32 s5, $0x0;
	s5 =	sld [smem:$0x3FAE]  }
0x2b: {  	s6 =	sld [smem:$0x3FAF]  }
0x2c: {  	s7 =	sld [smem:$0x3FB0]  }
0x2d: {  	s3 =	simm.s32 $0x108;
	s8 =	sld [smem:$0x3FB1]  }
0x2e: {  	s3 =	simm.s32 @!p0 $0x1082;
	s9 =	sld [smem:$0x3FB2]  }
0x2f: {  	lr =	sadd.s32 s0, s3;
	s0 =	sld [smem:$0x3FA9]  }
0x30: {  	s3 =	sld [smem:$0x3FAC]  }
0x31: {  	[smem:$0x3FB5] =	sst s10  }
0x32: {  	s10 =	sld [smem:$0x3FB3];
	_ =	sdelay $0x3  }
0x33: {  	p0 =	seq.s32 s10, $0x1;
	s10 =	sld [smem:$0x3FB5];
	_ =	sdelay $0x3  }
0x34: {  	[smem:$0x3FB5] =	sst s10  }
0x35: {  	s10 =	sld [smem:$0x3FB4];
	_ =	sdelay $0x3  }
0x36: {  	p1 =	seq.s32 s10, $0x1;
	s10 =	sld [smem:$0x3FB5];
	_ =	sdelay $0x3  }
0x37: {  	[smem:$0x3FB5] =	sst s10  }
0x38: {  	s10 =	sld [smem:$0x3FB6]  }
0x39: {  	_ = 	snop;
	(pc) =	sbr.ind lr, $3  }
0x3a: {  	_ = 	snop  }
0x3b: {  	_ = 	snop  }
0x3c: {  	p2 =	seq.s32 s10, $0x1;
	s10 =	sld [smem:$0x3FB5]  }
0x3d: {  	_ =	shalt  }
0x3e: {  	_ =	shalt  }
0x3f: {  	_ =	shalt  }
0x40: {  	_ =	shalt  }
0x41: {  	_ =	shalt  }
0x42: {  	_ =	shalt  }
0x43: {  	_ =	shalt  }
0x44: {  	_ =	shalt  }
0x45: {  	_ =	shalt  }
0x46: {  	_ =	shalt  }
0x47: {  	_ =	shalt  }
0x48: {  	_ =	shalt  }
0x49: {  	_ =	shalt  }
0x4a: {  	_ =	shalt  }
0x4b: {  	_ =	shalt  }
0x4c: {  	_ =	shalt  }
0x4d: {  	_ =	shalt  }
0x4e: {  	_ =	shalt  }
0x4f: {  	_ =	shalt  }
0x50: {  	_ =	shalt  }
0x51: {  	_ =	shalt  }
0x52: {  	_ =	shalt  }
0x53: {  	_ =	shalt  }
0x54: {  	_ =	shalt  }
0x55: {  	_ =	shalt  }
0x56: {  	_ =	shalt  }
0x57: {  	_ =	shalt  }
0x58: {  	_ =	shalt  }
0x59: {  	_ =	shalt  }
0x5a: {  	_ =	shalt  }
0x5b: {  	_ =	shalt  }
0x5c: {  	_ =	shalt  }
0x5d: {  	_ =	shalt  }
0x5e: {  	_ =	shalt  }
0x5f: {  	_ =	shalt  }
0x60: {  	_ =	shalt  }
0x61: {  	_ =	shalt  }
0x62: {  	_ =	shalt  }
0x63: {  	_ =	shalt  }
0x64: {  	_ =	shalt  }
0x65: {  	_ =	shalt  }
0x66: {  	_ =	shalt  }
0x67: {  	_ =	shalt  }
0x68: {  	_ =	shalt  }
0x69: {  	_ =	shalt  }
0x6a: {  	_ =	shalt  }
0x6b: {  	_ =	shalt  }
0x6c: {  	_ =	shalt  }
0x6d: {  	_ =	shalt  }
0x6e: {  	_ =	shalt  }
0x6f: {  	_ =	shalt  }
0x70: {  	_ =	shalt  }
0x71: {  	_ =	shalt  }
0x72: {  	_ =	shalt  }
0x73: {  	_ =	shalt  }
0x74: {  	_ =	shalt  }
0x75: {  	_ =	shalt  }
0x76: {  	_ =	shalt  }
0x77: {  	_ =	shalt  }
0x78: {  	_ =	shalt  }
0x79: {  	_ =	shalt  }
0x7a: {  	_ =	shalt  }
0x7b: {  	_ =	shalt  }
0x7c: {  	_ =	shalt  }
0x7d: {  	_ =	shalt  }
0x7e: {  	_ =	shalt  }
0x7f: {  	_ =	shalt  }
0x80: {  	_ =	shalt  }
0x81: {  	_ =	shalt  }
0x82: {  	_ =	shalt  }
0x83: {  	_ =	shalt  }
0x84: {  	_ =	shalt  }
0x85: {  	_ =	shalt  }
0x86: {  	_ =	shalt  }
0x87: {  	_ =	shalt  }
.Lfunc_end0:
.L_simem_size_0:
called_computation_lowered:
.L_overlay_start_0:
0x88: {  	s2 =	sld [smem:$0x3FD9]  }
0x89: {  	s3 =	sld [smem:$0x3FFE];
	_ =	sdelay $0x1  }
0x8a: {  	s1 =	srdreg.scid  }
0x8b: {  	s0 =	sand.u32 $0x1, s1  }
0x8c: {  	s17 =	sshll.u32 s0, $0xA;
	s2 =	sadd.s32 s3, s2  }
0x8d: {  	s2 =	sadd.s32 s2, s17  }
0x8e: {  	[smem:$0x3FC1] =	sst s2  }
0x8f: {  	_ = 	snop  }
0x90: {  	s2 =	sld [smem:$0x3FC7]  }
0x91: {  	s18 =	sld [smem:$0x3FD0];
	(tm) =	ssettm $0x1  }
0x92: {  	s4 =	sld [smem:$0x3FFB];
	_ =	sdelay $0x3  }
0x93: {  	_ =	strace s4  }
0x94: {  	s4 =	sld [smem:$0x3FFC];
	_ =	sdelay $0x3  }
0x95: {  	_ =	strace s4  }
0x96: {  	s4 =	sld [smem:$0x3FFD];
	_ =	sdelay $0x3  }
0x97: {  	_ =	strace s4  }
0x98: {  	_ =	strace $0x8FFFFFFF  }
0x99: {  	s19 =	sld [smem:$0x3FDB];
	_ =	sdelay $0x1  }
0x9a: {  	s5 =	simm.s32 $_scs_section_size  }
0x9b: {  	s6 =	simm.s32 $_size__tile_overlayer_lowered;
	s7 =	simm.s32 $_tile_overlayer_lowered  }
0x9c: {  	s22 =	simm.s32 $0x1BFF;
	s21 =	sshll.u32 s7, $0x1;
	s4 =	sadd.s32 s5, s19  }
0x9d: {  	s8 =	simm.s32 $0x0;
	s20 =	sshll.u32 s6, $0x1;
	s6 =	sadd.s32 s21, s4  }
0x9e: {  	[timem:s8], [sflag:s22] =	dma.local [hbm:s6], s20  }
0x9f: {  	_ =	swait.ge [sflag:s22], s20  }
0xa0: {  	s5 =	ssub.s32 $0x0, s20;
	[sflag:s22] =	ssyncset.done $0x0  }
0xa1: {  	[sflag:s22] =	ssyncadd.s32 s5;
	_ =	sdelay $0x1  }
0xa2: {  	s23 =	simm.s32 $0x1B8B  }
0xa3: {  	_ =	swait.ge [sflag:s23], $0x1  }
0xa4: {  	[sflag:s23] =	ssyncset.done $0x0  }
0xa5: {  	s25 =	simm.s32 $0x1B8E;
	s24 =	sld [smem:$0x3FFE];
	[sflag:s23] =	ssyncadd.s32 $0xFFFFFFFF  }
0xa6: {  	s26 =	simm.s32 $execute0_lowered;
	[smem:$0x3FD2] =	sst s25  }
0xa7: {  	s6 =	sshll.u32 s26, $0x1;
	_ =	strace $0x80000046;
	[dreg:$0x1] =	wrdreg $0xFFFFFFFF  }
0xa8: {  	s28 =	simm.s32 $_size_execute0_lowered;
	s4 =	sadd.s32 s4, s6;
	[dreg:$0x0] =	wrdreg $0x0  }
0xa9: {  	s6 =	sshll.u32 s28, $0x1;
	[dreg:$0x2] =	wrdreg s4  }
0xaa: {  	[dreg:$0x3] =	wrdreg s6  }
0xab: {  	[dreg:$0x4] =	wrdreg $0xC0  }
0xac: {  	_ =	task [dreg:s8], $0x5FFFF  }
0xad: {  	[dreg:$0x1] =	wrdreg $0xFFFFFFFF  }
0xae: {  	[dreg:$0x0] =	wrdreg $0x60  }
0xaf: {  	[dreg:$0x2] =	wrdreg s24  }
0xb0: {  	[dreg:$0x3] =	wrdreg s2  }
0xb1: {  	[dreg:$0x4] =	wrdreg s18  }
0xb2: {  	[dreg:$0x5] =	wrdreg $0xC7800  }
0xb3: {  	[dreg:$0x6] =	wrdreg $0x9  }
0xb4: {  	_ =	task.clear_ibuf [dreg:s8], $0x7FFFF;
	_ =	strace $0x90000046  }
0xb5: {  	s29 =	simm.s32 $0x9;
	_ =	strace $0x80000048  }
0xb6: {  	_ =	swait.ge [sflag:s29], $0x1  }
0xb7: {  	[sflag:s29] =	ssyncadd.s32 $0xFFFFFFFF  }
0xb8: {  	_ =	strace $0x90000048  }
0xb9: {  	_ =	sfence  }
0xba: {  	s30 =	sld [smem:$0x0];
	_ =	sdelay $0x2  }
0xbb: {  	s31 =	sshll.u32 s1, $0xD;
	s1 =	sshrl.u32 s1, $0x2  }
0xbc: {  	s3 =	sand.u32 $0x4000, s31;
	s1 =	sadd.s32 s1, s30  }
0xbd: {  	s0 =	sor.u32 s3, s0;
	s1 =	sshll.u32 s1, $0x11  }
0xbe: {  	s0 =	sor.u32 s1, s0  }
0xbf: {  	s0 =	sadd.s32 $0x8F2B, s0  }
0xc0: {  	[sflag:s0] =	ssyncadd.remote.s32 $0x1  }
0xc1: {  	_ =	sfence.sel $0xFFFF  }
0xc2: {  	[dreg:$0x0] =	wrdreg $0xFFFFFFFF;
	(pc) =	sbr.abs _section_cstart, $3  }
0xc3: {  	[dreg:$0x1] =	wrdreg $0xFFFFFFFF  }
0xc4: {  	_ =	task.clear_ibuf [dreg:s8], $0x2FFFF;
	_ =	strace $0x9FFFFFFF  }
0xc5: {  	(tm) =	ssettm $0x7FFFFFFF  }
tec
execute0_lowered:
.L_overlay_start_1:
0x0: {  	(tag) =	ssettag $0x1  }
0x1: {  	s0 =	rddreg [dreg:$0x0]  }
0x2: {  	s1 =	rddreg [dreg:$0x1]  }
0x3: {  	s3 =	srdreg.scid;
	s2 =	stileid.u32  }
0x4: {  	s4 =	simm.s32 $0x0;
	s13 =	simm.s32 $0x4F00;
	s17 =	simm.s32 $0x50  }
0x5: {  	s18 =	simm.s32 $0x7780;
	s19 =	simm.s32 $0x9F80;
	s20 =	simm.s32 $0x1  }
0x6: {  	s21 =	simm.s32 $0x7680;
	s22 =	simm.s32 $0x2;
	s23 =	simm.s32 $0x7700  }
0x7: {  	s6 =	sand.u32 $0x1, s3;
	s3 =	rddreg [dreg:$0x3];
	s9 =	smul.u32 $0x4E000, s2  }
0x8: {  	s25 =	simm.s32 $0x0;
	[smem:$0x7FF] =	sst s4;
	s31 =	smul.u32 $0x2700, s2  }
0x9: {  	p0 =	sne.s32 s2, $0xF;
	s14 =	sshll.u32 s2, $0x6;
	s5 =	sshll.u32 s6, $0x4  }
0xa: {  	_ =	strace $0x80000047;
	s7 =	smul.u32 $0x27100, s6;
	s6 =	ssub.s32 $0x2, s6  }
0xb: {  	s16 =	sadd.s32 $0x138000, s3;
	s14 =	sor.u32 $0x1C03, s14;
	s5 =	sor.u32 s2, s5  }
0xc: {  	s28 =	sshrl.u32 s6, $0x1;
	s9 =	sshrl.u32 s9, $0x2;
	s8 =	smul.u32 $0x4E2, s5  }
0xd: {  	s16 =	sshrl.u32 @!p0 s16, $0x3;
	s5 =	sadd.s32 $0x14A00, s0;
	s30 =	sadd.s32 s9, s3  }
0xe: {  	s11 =	ssub.s32 s6, s28;
	s15 =	sshrl.u32 s30, $0x3;
	s10 =	sadd.s32 s8, s0  }
0xf: {  	s0 =	sadd.s32 s7, s0;
	s8 =	sadd.s32 s1, s8;
	s29 =	sadd.s32 $0xAC00, s10  }
0x10: {  	s7 =	sadd.s32 $0xE00, s10;
	s9 =	sadd.s32 $0x3BC00, s0;
	s10 =	smax.u32 s11, $0x1  }
0x11: {  	s11 =	simm.s32 $0x3;
	[dreg:$0x5] =	wrdreg s29;
	s24 =	sadd.s32 s31, s9  }
.LBB2_1:
0x12: {  	s0 =	rddreg [dreg:$0x5]  }
0x13: {  	[tilespmem:s4], [sflag:$0x3] =	stream.linear.gather [hbm4b:s0+s4], $0x2710, $0x38;
	v63 =	vld [tilespmem:$0x0]  }
0x14: {  	_ =	swait.ge [sflag:s11], $0x2710  }
0x15: {  	[sflag:s11] =	ssyncset.done $0x0  }
0x16: {  	s31 =	simm.s32 $0x2780;
	[sflag:s11] =	ssyncadd.s32 $0xFFFFD8F0  }
0x17: {  	[tilespmem:s31], [sflag:$0x3] =	stream.linear.gather [hbm4b:s7+s4], $0x2710, $0x38;
	v63 =	vld [tilespmem:$0x0]  }
0x18: {  	_ =	swait.ge [sflag:s11], $0x2710  }
0x19: {  	[sflag:s11] =	ssyncset.done $0x0  }
0x1a: {  	[sflag:s11] =	ssyncadd.s32 $0xFFFFD8F0  }
0x1b: {  	[tilespmem:s13], [sflag:$0x3] =	stream.linear.gather [hbm4b:s8+s4], $0x2710, $0x38;
	v63 =	vld [tilespmem:$0x0]  }
0x1c: {  	_ =	swait.ge [sflag:s11], $0x2710  }
0x1d: {  	[sflag:s11] =	ssyncset.done $0x0  }
0x1e: {  	[sflag:s11] =	ssyncadd.s32 $0xFFFFD8F0  }
0x1f: {  	s0 =	rddreg [dreg:$0x2]  }
0x20: {  	[spmem:s15], [sflag:s14] =	dma.local [hbm:s0], $0x2700  }
0x21: {  	_ =	swait.ge [sflag:s11], $0x2700  }
0x22: {  	[sflag:s11] =	ssyncset.done $0x0  }
0x23: {  	[sflag:s11] =	ssyncadd.s32 $0xFFFFD900  }
0x24: {  	[spmem:s16], [sflag:s14] =	dma.local @!p0 [hbm:s0], $0x100  }
0x25: {  	s0 =	simm.s32 @!p0 $0x3  }
0x26: {  	_ =	swait.ge @!p0 [sflag:s0], $0x100  }
0x27: {  	[sflag:s0] =	ssyncset.done @!p0 $0x0  }
0x28: {  	[sflag:s0] =	ssyncadd.s32 @!p0 $0xFFFFFF00  }
0x29: {  	s26 =	simm.s32 $0x0;
	s28 =	simm.s32 $0x0;
	[bflag:$0x0] =	sbarrier.arrive $0xFFFF  }
0x2a: {  	[tilespmem:s18], [sflag:$0x1] =	stream.indirect.gather [hbm4b:s5+s17], $0x80, s4, s17, $0xb8;
	v63 =	vld [tilespmem:$0x0]  }
.LBB2_2:
0x2b: {  	s29 =	smul.u32 $0xA0, s28  }
0x2c: {  	s0 =	sadd.s32 $0xFFFFFFFC, s26  }
0x2d: {  	s1 =	sadd.s32 $0x6, s0;
	s6 =	sadd.s32 $0x4, s0;
	s30 =	sadd.s32 $0x50, s29  }
0x2e: {  	v1 =	vmov s6;
	[tilespmem:s19], [sflag:$0x2] =	stream.indirect.gather [hbm4b:s5+s17], $0x80, s30, s17, $0xb8;
	v63 =	vld [tilespmem:$0x0]  }
0x2f: {  	v0 =	vmov s1;
	v1 =	vand.u32 $0xFFFFFFFC, v1;
	_ =	swait.ge [sflag:s20], $0x2800  }
0x30: {  	v0 =	vand.u32 $0xFFFFFFFE, v0;
	v1 =	vbroadcast v1, $0x0;
	[sflag:s20] =	ssyncset.done $0x0  }
0x31: {  	s31 =	simm.s32 $0x7880;
	v0 =	vbroadcast v0, $0x0;
	[sflag:s20] =	ssyncadd.s32 $0xFFFFD800  }
0x32: {  	v2 =	vld [tilespmem:s31+$0x70]  }
0x33: {  	v4 =	vld [tilespmem:s31+$0xFFFFFF00]  }
0x34: {  	s12 =	sadd.s32 $0x5, s0;
	v5 =	vld [tilespmem:s31+$0xFFFFFF10]  }
0x35: {  	v3 =	vmov s12;
	v6 =	vld [tilespmem:s31+$0xFFFFFF20]  }
0x36: {  	v3 =	vand.u32 $0xFFFFFFFD, v3;
	v1 =	vld.idx.msk [tilespmem:v1+s13+$0x0], $0xffff  }
0x37: {  	v3 =	vbroadcast v3, $0x0;
	v0 =	vld.idx.msk [tilespmem:v0+s13+$0x0], $0xffff  }
0x38: {  	v7 =	vld [tilespmem:s31+$0xFFFFFF30]  }
0x39: {  	v8 =	vld [tilespmem:s31+$0xFFFFFF40]  }
0x3a: {  	v9 =	vld [tilespmem:s31+$0xFFFFFF50]  }
0x3b: {  	v10 =	vld [tilespmem:s31+$0xFFFFFF60];
	v4 =	vmul.f32 v4, v1  }
0x3c: {  	v12 =	vld [tilespmem:s31+$0xFFFFFFD0];
	v2 =	vmul.f32 v2, v0  }
0x3d: {  	v3 =	vld.idx.msk [tilespmem:v3+s13+$0x0], $0xffff;
	[tilespmem:s31+$0xFFFFFF00] =	vst v4;
	v4 =	vmul.f32 v5, v1  }
0x3e: {  	v5 =	vld [tilespmem:s31+$0xFFFFFF70];
	[tilespmem:s31+$0x70] =	vst v2;
	v2 =	vmul.f32 v6, v1  }
0x3f: {  	s0 =	sadd.s32 $0x7, s0;
	v6 =	vld [tilespmem:s31+$0xFFFFFF80];
	[tilespmem:s31+$0xFFFFFF10] =	vst v4;
	v4 =	vmul.f32 v7, v1  }
0x40: {  	v11 =	vmov s0;
	v7 =	vld [tilespmem:s31+$0xFFFFFF90];
	[tilespmem:s31+$0xFFFFFF20] =	vst v2;
	v2 =	vmul.f32 v8, v1  }
0x41: {  	v8 =	vld [tilespmem:s31+$0xFFFFFFA0];
	[tilespmem:s31+$0xFFFFFF30] =	vst v4;
	v4 =	vmul.f32 v9, v1  }
0x42: {  	v9 =	vld [tilespmem:s31+$0xFFFFFFB0];
	[tilespmem:s31+$0xFFFFFF40] =	vst v2;
	v2 =	vmul.f32 v10, v1  }
0x43: {  	v10 =	vld [tilespmem:s31+$0xFFFFFFC0];
	v5 =	vmul.f32 v5, v1;
	[tilespmem:s31+$0xFFFFFF50] =	vst v4  }
0x44: {  	v13 =	vld [tilespmem:s31+$0xFFFFFFE0];
	v4 =	vmul.f32 v6, v3;
	[tilespmem:s31+$0xFFFFFF60] =	vst v2  }
0x45: {  	v1 =	vld.idx.msk [tilespmem:v11+s13+$0x0], $0xffff;
	v2 =	vmul.f32 v7, v3;
	[tilespmem:s31+$0xFFFFFF70] =	vst v5  }
0x46: {  	v7 =	vld [tilespmem:s31+$0xFFFFFFF0];
	[tilespmem:s31+$0xFFFFFF80] =	vst v4;
	v4 =	vmul.f32 v8, v3  }
0x47: {  	v6 =	vld [tilespmem:s31+$0x0];
	[tilespmem:s31+$0xFFFFFF90] =	vst v2;
	v2 =	vmul.f32 v9, v3  }
0x48: {  	v5 =	vld [tilespmem:s31+$0x10];
	v8 =	vmul.f32 v10, v3;
	[tilespmem:s31+$0xFFFFFFA0] =	vst v4  }
0x49: {  	v9 =	vmul.f32 v12, v3;
	v4 =	vld [tilespmem:s31+$0x20];
	[tilespmem:s31+$0xFFFFFFB0] =	vst v2  }
0x4a: {  	[tilespmem:s31+$0xFFFFFFC0] =	vst v8;
	v2 =	vld [tilespmem:s31+$0x30];
	v8 =	vmul.f32 v13, v3  }
0x4b: {  	s1 =	simm.s32 $0x0;
	s0 =	simm.s32 $0x7880;
	[tilespmem:s31+$0xFFFFFFD0] =	vst v9;
	v7 =	vmul.f32 v7, v3;
	v3 =	vld [tilespmem:s31+$0x40]  }
.LBB2_3:
0x4c: {  	s12 =	sadd.s32 s1, s26;
	s1 =	sadd.s32 $0x4, s1;
	[tilespmem:s31+$0xFFFFFFE0] =	vst v8;
	v6 =	vmul.f32 v6, v0;
	v8 =	vld [tilespmem:s31+$0x50]  }
0x4d: {  	s2 =	sadd.s32 $0x4, s12;
	s6 =	sadd.s32 $0x6, s12;
	p1 =	slt.u32 s1, $0x4C;
	[tilespmem:s31+$0xFFFFFFF0] =	vst v7;
	v5 =	vmul.f32 v5, v0;
	v7 =	vld [tilespmem:s31+$0x60]  }
0x4e: {  	v9 =	vmov s2;
	s2 =	sadd.s32 $0x5, s12;
	v10 =	vmov s6;
	s6 =	sadd.s32 $0x7, s12;
	[tilespmem:s31+$0x0] =	vst v6;
	v4 =	vmul.f32 v4, v0;
	v6 =	vld [tilespmem:s31+$0x80]  }
0x4f: {  	v9 =	vand.u32 $0xFFFFFFFC, v9;
	v11 =	vmov s2;
	v10 =	vand.u32 $0xFFFFFFFE, v10;
	[tilespmem:s31+$0x10] =	vst v5;
	v5 =	vld [tilespmem:s31+$0x90]  }
0x50: {  	v9 =	vbroadcast v9, $0x0;
	v11 =	vand.u32 $0xFFFFFFFD, v11;
	v10 =	vbroadcast v10, $0x0;
	[tilespmem:s31+$0x20] =	vst v4;
	v4 =	vld [tilespmem:s31+$0xA0]  }
0x51: {  	v12 =	vmov s6;
	v2 =	vmul.f32 v2, v0;
	v11 =	vbroadcast v11, $0x0;
	v13 =	vld [tilespmem:s31+$0xB0]  }
0x52: {  	v3 =	vmul.f32 v3, v0;
	v8 =	vmul.f32 v8, v0;
	v14 =	vld [tilespmem:s31+$0xC0]  }
0x53: {  	[tilespmem:s31+$0x30] =	vst v2;
	v2 =	vmul.f32 v7, v0;
	v6 =	vmul.f32 v6, v1;
	v7 =	vld [tilespmem:s31+$0xD0]  }
0x54: {  	[tilespmem:s31+$0x40] =	vst v3;
	v3 =	vmul.f32 v5, v1;
	v5 =	vld [tilespmem:s31+$0xE0]  }
0x55: {  	[tilespmem:s31+$0x50] =	vst v8;
	v4 =	vmul.f32 v4, v1;
	v8 =	vld [tilespmem:s31+$0xF0]  }
0x56: {  	s31 =	sadd.s32 $0x200, s31;
	v0 =	vld.idx.msk [tilespmem:v10+s13+$0x0], $0xffff;
	[tilespmem:s0+$0x60] =	vst v2;
	v2 =	vmul.f32 v13, v1  }
0x57: {  	v10 =	vld [tilespmem:s31+$0x70];
	[tilespmem:s0+$0x80] =	vst v6;
	v6 =	vmul.f32 v14, v1  }
0x58: {  	v9 =	vld.idx.msk [tilespmem:v9+s13+$0x0], $0xffff;
	[tilespmem:s0+$0x90] =	vst v3;
	v3 =	vmul.f32 v7, v1  }
0x59: {  	v7 =	vld.idx.msk [tilespmem:v11+s13+$0x0], $0xffff;
	[tilespmem:s0+$0xA0] =	vst v4;
	v4 =	vmul.f32 v5, v1  }
0x5a: {  	[tilespmem:s0+$0xB0] =	vst v2;
	v2 =	vmul.f32 v8, v1;
	v1 =	vld.idx.msk [tilespmem:v12+s13+$0x0], $0xffff  }
0x5b: {  	v5 =	vld [tilespmem:s31+$0xFFFFFF00];
	[tilespmem:s0+$0xC0] =	vst v6  }
0x5c: {  	v6 =	vld [tilespmem:s31+$0xFFFFFF10];
	v8 =	vmul.f32 v10, v0;
	[tilespmem:s0+$0xD0] =	vst v3  }
0x5d: {  	v3 =	vld [tilespmem:s31+$0xFFFFFF20];
	[tilespmem:s0+$0xE0] =	vst v4  }
0x5e: {  	v4 =	vld [tilespmem:s31+$0xFFFFFF30];
	[tilespmem:s31+$0x70] =	vst v8  }
0x5f: {  	v8 =	vld [tilespmem:s31+$0xFFFFFF40];
	[tilespmem:s0+$0xF0] =	vst v2;
	s0 =	smov.u32 s31  }
0x60: {  	v2 =	vmul.f32 v5, v9;
	v5 =	vld [tilespmem:s31+$0xFFFFFF50]  }
0x61: {  	v6 =	vmul.f32 v6, v9;
	v10 =	vld [tilespmem:s31+$0xFFFFFF60]  }
0x62: {  	[tilespmem:s31+$0xFFFFFF00] =	vst v2;
	v2 =	vmul.f32 v3, v9;
	v3 =	vld [tilespmem:s31+$0xFFFFFF70]  }
0x63: {  	[tilespmem:s31+$0xFFFFFF10] =	vst v6;
	v4 =	vmul.f32 v4, v9;
	v6 =	vld [tilespmem:s31+$0xFFFFFF80]  }
0x64: {  	[tilespmem:s31+$0xFFFFFF20] =	vst v2;
	v2 =	vmul.f32 v8, v9;
	v8 =	vld [tilespmem:s31+$0xFFFFFF90]  }
0x65: {  	[tilespmem:s31+$0xFFFFFF30] =	vst v4;
	v4 =	vmul.f32 v5, v9;
	v5 =	vld [tilespmem:s31+$0xFFFFFFA0]  }
0x66: {  	[tilespmem:s31+$0xFFFFFF40] =	vst v2;
	v2 =	vmul.f32 v10, v9;
	v10 =	vld [tilespmem:s31+$0xFFFFFFB0]  }
0x67: {  	[tilespmem:s31+$0xFFFFFF50] =	vst v4;
	v3 =	vmul.f32 v3, v9;
	v4 =	vld [tilespmem:s31+$0xFFFFFFC0]  }
0x68: {  	[tilespmem:s31+$0xFFFFFF60] =	vst v2;
	v2 =	vmul.f32 v6, v7;
	v9 =	vld [tilespmem:s31+$0xFFFFFFD0]  }
0x69: {  	[tilespmem:s31+$0xFFFFFF70] =	vst v3;
	v3 =	vmul.f32 v8, v7;
	v8 =	vld [tilespmem:s31+$0xFFFFFFE0]  }
0x6a: {  	[tilespmem:s31+$0xFFFFFF80] =	vst v2;
	v2 =	vmul.f32 v5, v7;
	v11 =	vld [tilespmem:s31+$0xFFFFFFF0]  }
.Ltmp0:
0x6b: {  	[tilespmem:s31+$0xFFFFFF90] =	vst v3;
	v3 =	vmul.f32 v10, v7;
	v6 =	vld [tilespmem:s31+$0x0];
	(pc) =	sbr.rel @p1 .LBB2_3-.Ltmp0, $4  }
0x6c: {  	[tilespmem:s31+$0xFFFFFFA0] =	vst v2;
	v2 =	vmul.f32 v4, v7;
	v5 =	vld [tilespmem:s31+$0x10]  }
0x6d: {  	[tilespmem:s31+$0xFFFFFFB0] =	vst v3;
	v3 =	vmul.f32 v9, v7;
	v4 =	vld [tilespmem:s31+$0x20]  }
0x6e: {  	[tilespmem:s31+$0xFFFFFFC0] =	vst v2;
	v8 =	vmul.f32 v8, v7;
	v2 =	vld [tilespmem:s31+$0x30]  }
0x6f: {  	[tilespmem:s31+$0xFFFFFFD0] =	vst v3;
	v7 =	vmul.f32 v11, v7;
	v3 =	vld [tilespmem:s31+$0x40]  }
0x70: {  	v9 =	vld [tilespmem:s31+$0x50];
	[tilespmem:s31+$0xFFFFFFE0] =	vst v8;
	v6 =	vmul.f32 v6, v0  }
0x71: {  	v8 =	vld [tilespmem:s31+$0x60];
	[tilespmem:s31+$0xFFFFFFF0] =	vst v7;
	v5 =	vmul.f32 v5, v0  }
0x72: {  	v7 =	vld [tilespmem:s31+$0x80];
	[tilespmem:s31+$0x0] =	vst v6;
	v4 =	vmul.f32 v4, v0  }
0x73: {  	v6 =	vld [tilespmem:s31+$0x90];
	[tilespmem:s31+$0x10] =	vst v5;
	v2 =	vmul.f32 v2, v0  }
0x74: {  	v5 =	vld [tilespmem:s31+$0xA0];
	[tilespmem:s31+$0x20] =	vst v4;
	v3 =	vmul.f32 v3, v0  }
0x75: {  	v4 =	vld [tilespmem:s31+$0xB0];
	v9 =	vmul.f32 v9, v0;
	[tilespmem:s31+$0x30] =	vst v2  }
0x76: {  	v10 =	vld [tilespmem:s31+$0xC0];
	v0 =	vmul.f32 v8, v0;
	[tilespmem:s31+$0x40] =	vst v3  }
0x77: {  	v2 =	vld [tilespmem:s31+$0xD0];
	v3 =	vmul.f32 v7, v1;
	[tilespmem:s31+$0x50] =	vst v9  }
0x78: {  	v7 =	vld [tilespmem:s31+$0xE0];
	v6 =	vmul.f32 v6, v1;
	[tilespmem:s0+$0x60] =	vst v0  }
0x79: {  	v8 =	vld [tilespmem:s31+$0xF0];
	v0 =	vmul.f32 v5, v1;
	[tilespmem:s0+$0x80] =	vst v3  }
0x7a: {  	v3 =	vmul.f32 v4, v1;
	[tilespmem:s0+$0x90] =	vst v6  }
0x7b: {  	v4 =	vmul.f32 v10, v1;
	[tilespmem:s0+$0xA0] =	vst v0  }
0x7c: {  	v0 =	vmul.f32 v2, v1;
	[tilespmem:s0+$0xB0] =	vst v3  }
0x7d: {  	v2 =	vmul.f32 v7, v1;
	[tilespmem:s0+$0xC0] =	vst v4  }
0x7e: {  	v1 =	vmul.f32 v8, v1;
	[tilespmem:s0+$0xD0] =	vst v0  }
0x7f: {  	[tilespmem:s0+$0xE0] =	vst v2  }
0x80: {  	[tilespmem:s0+$0xF0] =	vst v1  }
0x81: {  	v0 =	vld [tilespmem:s29+$0x2780]  }
0x82: {  	v1 =	vld [tilespmem:s29+$0x2790]  }
0x83: {  	v2 =	vld [tilespmem:s29+$0x27A0]  }
0x84: {  	v3 =	vld [tilespmem:s29+$0x27B0]  }
0x85: {  	v4 =	vld [tilespmem:s29+$0x27C0]  }
0x86: {  	[tilespmem:$0x7680] =	vst v0  }
0x87: {  	[tilespmem:$0x7690] =	vst v1  }
0x88: {  	[tilespmem:$0x76A0] =	vst v2  }
0x89: {  	s0 =	sadd.s32 $0xFFFFFFFC, s26;
	[tilespmem:$0x76B0] =	vst v3  }
0x8a: {  	s2 =	smul.u32 $0x280, s28;
	s1 =	sadd.s32 $0x56, s0;
	[tilespmem:$0x76C0] =	vst v4  }
0x8b: {  	v0 =	vmov s1;
	[spmem:s3] =	stream.indirect.scatter.add.f32 [tilespmem:s18], [sflag:$0x3], $0x80, s21, s17, $0xb8;
	v63 =	vld [tilespmem:$0x0]  }
0x8c: {  	s12 =	sadd.s32 $0x54, s0;
	v0 =	vand.u32 $0xFFFFFFFE, v0;
	_ =	swait.ge [sflag:s11], $0x2800  }
0x8d: {  	s2 =	sshra.s32 s2, $0x2;
	v1 =	vmov s12;
	v0 =	vbroadcast v0, $0x0;
	[sflag:s11] =	ssyncset.done $0x0  }
0x8e: {  	s6 =	sadd.s32 $0xA0, s2;
	v1 =	vand.u32 $0xFFFFFFFC, v1;
	[sflag:s11] =	ssyncadd.s32 $0xFFFFD800  }
0x8f: {  	v1 =	vbroadcast v1, $0x0;
	[tilespmem:s18], [sflag:$0x1] =	stream.indirect.gather [hbm4b:s5+s17], $0x80, s6, s17, $0xb8;
	v63 =	vld [tilespmem:$0x0]  }
0x90: {  	_ =	swait.ge [sflag:s22], $0x2800  }
0x91: {  	[sflag:s22] =	ssyncset.done $0x0  }
0x92: {  	[sflag:s22] =	ssyncadd.s32 $0xFFFFD800  }
0x93: {  	s31 =	simm.s32 $0xA080;
	v0 =	vld.idx.msk [tilespmem:v0+s13+$0x0], $0xffff  }
0x94: {  	s12 =	sadd.s32 $0x55, s0;
	v2 =	vld [tilespmem:s31+$0x70]  }
0x95: {  	v3 =	vmov s12;
	v1 =	vld.idx.msk [tilespmem:v1+s13+$0x0], $0xffff  }
0x96: {  	v3 =	vand.u32 $0xFFFFFFFD, v3;
	v4 =	vld [tilespmem:s31+$0xFFFFFF00]  }
0x97: {  	v3 =	vbroadcast v3, $0x0;
	v5 =	vld [tilespmem:s31+$0xFFFFFF10]  }
0x98: {  	v6 =	vld [tilespmem:s31+$0xFFFFFF20]  }
0x99: {  	v7 =	vld [tilespmem:s31+$0xFFFFFF30]  }
0x9a: {  	v8 =	vld [tilespmem:s31+$0xFFFFFF40]  }
0x9b: {  	v9 =	vld [tilespmem:s31+$0xFFFFFF50]  }
0x9c: {  	v10 =	vld [tilespmem:s31+$0xFFFFFF60];
	v4 =	vmul.f32 v4, v1  }
0x9d: {  	v3 =	vld.idx.msk [tilespmem:v3+s13+$0x0], $0xffff;
	v2 =	vmul.f32 v2, v0  }
0x9e: {  	v12 =	vld [tilespmem:s31+$0xFFFFFFD0];
	[tilespmem:s31+$0xFFFFFF00] =	vst v4;
	v4 =	vmul.f32 v5, v1  }
0x9f: {  	v5 =	vld [tilespmem:s31+$0xFFFFFF70];
	[tilespmem:s31+$0x70] =	vst v2;
	v2 =	vmul.f32 v6, v1  }
0xa0: {  	s0 =	sadd.s32 $0x57, s0;
	v6 =	vld [tilespmem:s31+$0xFFFFFF80];
	[tilespmem:s31+$0xFFFFFF10] =	vst v4;
	v4 =	vmul.f32 v7, v1  }
0xa1: {  	v11 =	vmov s0;
	v7 =	vld [tilespmem:s31+$0xFFFFFF90];
	[tilespmem:s31+$0xFFFFFF20] =	vst v2;
	v2 =	vmul.f32 v8, v1  }
0xa2: {  	v8 =	vld [tilespmem:s31+$0xFFFFFFA0];
	[tilespmem:s31+$0xFFFFFF30] =	vst v4;
	v4 =	vmul.f32 v9, v1  }
0xa3: {  	v9 =	vld [tilespmem:s31+$0xFFFFFFB0];
	[tilespmem:s31+$0xFFFFFF40] =	vst v2;
	v2 =	vmul.f32 v10, v1  }
0xa4: {  	v10 =	vld [tilespmem:s31+$0xFFFFFFC0];
	v5 =	vmul.f32 v5, v1;
	[tilespmem:s31+$0xFFFFFF50] =	vst v4  }
0xa5: {  	v13 =	vld [tilespmem:s31+$0xFFFFFFE0];
	v4 =	vmul.f32 v6, v3;
	[tilespmem:s31+$0xFFFFFF60] =	vst v2  }
0xa6: {  	v1 =	vld.idx.msk [tilespmem:v11+s13+$0x0], $0xffff;
	v2 =	vmul.f32 v7, v3;
	[tilespmem:s31+$0xFFFFFF70] =	vst v5  }
0xa7: {  	v7 =	vld [tilespmem:s31+$0xFFFFFFF0];
	[tilespmem:s31+$0xFFFFFF80] =	vst v4;
	v4 =	vmul.f32 v8, v3  }
0xa8: {  	v6 =	vld [tilespmem:s31+$0x0];
	[tilespmem:s31+$0xFFFFFF90] =	vst v2;
	v2 =	vmul.f32 v9, v3  }
0xa9: {  	v5 =	vld [tilespmem:s31+$0x10];
	v8 =	vmul.f32 v10, v3;
	[tilespmem:s31+$0xFFFFFFA0] =	vst v4  }
0xaa: {  	v9 =	vmul.f32 v12, v3;
	v4 =	vld [tilespmem:s31+$0x20];
	[tilespmem:s31+$0xFFFFFFB0] =	vst v2  }
0xab: {  	[tilespmem:s31+$0xFFFFFFC0] =	vst v8;
	v2 =	vld [tilespmem:s31+$0x30];
	v8 =	vmul.f32 v13, v3  }
0xac: {  	s1 =	simm.s32 $0x0;
	s0 =	simm.s32 $0xA080;
	[tilespmem:s31+$0xFFFFFFD0] =	vst v9;
	v7 =	vmul.f32 v7, v3;
	v3 =	vld [tilespmem:s31+$0x40]  }
.LBB2_5:
0xad: {  	s2 =	sadd.s32 s1, s26;
	s1 =	sadd.s32 $0x4, s1;
	[tilespmem:s31+$0xFFFFFFE0] =	vst v8;
	v6 =	vmul.f32 v6, v0;
	v8 =	vld [tilespmem:s31+$0x50]  }
0xae: {  	s6 =	sadd.s32 $0x54, s2;
	s12 =	sadd.s32 $0x56, s2;
	p1 =	slt.u32 s1, $0x4C;
	[tilespmem:s31+$0xFFFFFFF0] =	vst v7;
	v5 =	vmul.f32 v5, v0;
	v7 =	vld [tilespmem:s31+$0x60]  }
0xaf: {  	v9 =	vmov s6;
	s6 =	sadd.s32 $0x55, s2;
	v10 =	vmov s12;
	s2 =	sadd.s32 $0x57, s2;
	[tilespmem:s31+$0x0] =	vst v6;
	v4 =	vmul.f32 v4, v0;
	v6 =	vld [tilespmem:s31+$0x80]  }
0xb0: {  	v9 =	vand.u32 $0xFFFFFFFC, v9;
	v11 =	vmov s6;
	v10 =	vand.u32 $0xFFFFFFFE, v10;
	[tilespmem:s31+$0x10] =	vst v5;
	v5 =	vld [tilespmem:s31+$0x90]  }
0xb1: {  	v9 =	vbroadcast v9, $0x0;
	v11 =	vand.u32 $0xFFFFFFFD, v11;
	v10 =	vbroadcast v10, $0x0;
	[tilespmem:s31+$0x20] =	vst v4;
	v4 =	vld [tilespmem:s31+$0xA0]  }
0xb2: {  	v12 =	vmov s2;
	v2 =	vmul.f32 v2, v0;
	v11 =	vbroadcast v11, $0x0;
	v13 =	vld [tilespmem:s31+$0xB0]  }
0xb3: {  	v3 =	vmul.f32 v3, v0;
	v8 =	vmul.f32 v8, v0;
	v14 =	vld [tilespmem:s31+$0xC0]  }
0xb4: {  	[tilespmem:s31+$0x30] =	vst v2;
	v2 =	vmul.f32 v7, v0;
	v6 =	vmul.f32 v6, v1;
	v7 =	vld [tilespmem:s31+$0xD0]  }
0xb5: {  	[tilespmem:s31+$0x40] =	vst v3;
	v3 =	vmul.f32 v5, v1;
	v5 =	vld [tilespmem:s31+$0xE0]  }
0xb6: {  	[tilespmem:s31+$0x50] =	vst v8;
	v4 =	vmul.f32 v4, v1;
	v8 =	vld [tilespmem:s31+$0xF0]  }
0xb7: {  	s31 =	sadd.s32 $0x200, s31;
	v0 =	vld.idx.msk [tilespmem:v10+s13+$0x0], $0xffff;
	[tilespmem:s0+$0x60] =	vst v2;
	v2 =	vmul.f32 v13, v1  }
0xb8: {  	v10 =	vld [tilespmem:s31+$0x70];
	[tilespmem:s0+$0x80] =	vst v6;
	v6 =	vmul.f32 v14, v1  }
0xb9: {  	v9 =	vld.idx.msk [tilespmem:v9+s13+$0x0], $0xffff;
	[tilespmem:s0+$0x90] =	vst v3;
	v3 =	vmul.f32 v7, v1  }
0xba: {  	v7 =	vld.idx.msk [tilespmem:v11+s13+$0x0], $0xffff;
	[tilespmem:s0+$0xA0] =	vst v4;
	v4 =	vmul.f32 v5, v1  }
0xbb: {  	[tilespmem:s0+$0xB0] =	vst v2;
	v2 =	vmul.f32 v8, v1;
	v1 =	vld.idx.msk [tilespmem:v12+s13+$0x0], $0xffff  }
0xbc: {  	v5 =	vld [tilespmem:s31+$0xFFFFFF00];
	[tilespmem:s0+$0xC0] =	vst v6  }
0xbd: {  	v6 =	vld [tilespmem:s31+$0xFFFFFF10];
	v8 =	vmul.f32 v10, v0;
	[tilespmem:s0+$0xD0] =	vst v3  }
0xbe: {  	v3 =	vld [tilespmem:s31+$0xFFFFFF20];
	[tilespmem:s0+$0xE0] =	vst v4  }
0xbf: {  	v4 =	vld [tilespmem:s31+$0xFFFFFF30];
	[tilespmem:s31+$0x70] =	vst v8  }
0xc0: {  	v8 =	vld [tilespmem:s31+$0xFFFFFF40];
	[tilespmem:s0+$0xF0] =	vst v2;
	s0 =	smov.u32 s31  }
0xc1: {  	v2 =	vmul.f32 v5, v9;
	v5 =	vld [tilespmem:s31+$0xFFFFFF50]  }
0xc2: {  	v6 =	vmul.f32 v6, v9;
	v10 =	vld [tilespmem:s31+$0xFFFFFF60]  }
0xc3: {  	[tilespmem:s31+$0xFFFFFF00] =	vst v2;
	v2 =	vmul.f32 v3, v9;
	v3 =	vld [tilespmem:s31+$0xFFFFFF70]  }
0xc4: {  	[tilespmem:s31+$0xFFFFFF10] =	vst v6;
	v4 =	vmul.f32 v4, v9;
	v6 =	vld [tilespmem:s31+$0xFFFFFF80]  }
0xc5: {  	[tilespmem:s31+$0xFFFFFF20] =	vst v2;
	v2 =	vmul.f32 v8, v9;
	v8 =	vld [tilespmem:s31+$0xFFFFFF90]  }
0xc6: {  	[tilespmem:s31+$0xFFFFFF30] =	vst v4;
	v4 =	vmul.f32 v5, v9;
	v5 =	vld [tilespmem:s31+$0xFFFFFFA0]  }
0xc7: {  	[tilespmem:s31+$0xFFFFFF40] =	vst v2;
	v2 =	vmul.f32 v10, v9;
	v10 =	vld [tilespmem:s31+$0xFFFFFFB0]  }
0xc8: {  	[tilespmem:s31+$0xFFFFFF50] =	vst v4;
	v3 =	vmul.f32 v3, v9;
	v4 =	vld [tilespmem:s31+$0xFFFFFFC0]  }
0xc9: {  	[tilespmem:s31+$0xFFFFFF60] =	vst v2;
	v2 =	vmul.f32 v6, v7;
	v9 =	vld [tilespmem:s31+$0xFFFFFFD0]  }
0xca: {  	[tilespmem:s31+$0xFFFFFF70] =	vst v3;
	v3 =	vmul.f32 v8, v7;
	v8 =	vld [tilespmem:s31+$0xFFFFFFE0]  }
0xcb: {  	[tilespmem:s31+$0xFFFFFF80] =	vst v2;
	v2 =	vmul.f32 v5, v7;
	v11 =	vld [tilespmem:s31+$0xFFFFFFF0]  }
.Ltmp1:
0xcc: {  	[tilespmem:s31+$0xFFFFFF90] =	vst v3;
	v3 =	vmul.f32 v10, v7;
	v6 =	vld [tilespmem:s31+$0x0];
	(pc) =	sbr.rel @p1 .LBB2_5-.Ltmp1, $4  }
0xcd: {  	[tilespmem:s31+$0xFFFFFFA0] =	vst v2;
	v2 =	vmul.f32 v4, v7;
	v5 =	vld [tilespmem:s31+$0x10]  }
0xce: {  	[tilespmem:s31+$0xFFFFFFB0] =	vst v3;
	v3 =	vmul.f32 v9, v7;
	v4 =	vld [tilespmem:s31+$0x20]  }
0xcf: {  	[tilespmem:s31+$0xFFFFFFC0] =	vst v2;
	v8 =	vmul.f32 v8, v7;
	v2 =	vld [tilespmem:s31+$0x30]  }
0xd0: {  	[tilespmem:s31+$0xFFFFFFD0] =	vst v3;
	v7 =	vmul.f32 v11, v7;
	v3 =	vld [tilespmem:s31+$0x40]  }
0xd1: {  	v9 =	vld [tilespmem:s31+$0x50];
	[tilespmem:s31+$0xFFFFFFE0] =	vst v8;
	v6 =	vmul.f32 v6, v0  }
0xd2: {  	v48 =	vld [tilespmem:s31+$0x80];
	[tilespmem:s31+$0xFFFFFFF0] =	vst v7;
	v5 =	vmul.f32 v5, v0  }
0xd3: {  	v49 =	vld [tilespmem:s31+$0x90];
	[tilespmem:s31+$0x0] =	vst v6;
	v4 =	vmul.f32 v4, v0  }
0xd4: {  	v50 =	vld [tilespmem:s31+$0xA0];
	[tilespmem:s31+$0x10] =	vst v5;
	v2 =	vmul.f32 v2, v0  }
0xd5: {  	v51 =	vld [tilespmem:s31+$0xB0];
	[tilespmem:s31+$0x20] =	vst v4;
	v3 =	vmul.f32 v3, v0  }
0xd6: {  	v10 =	vld [tilespmem:s31+$0xC0];
	v9 =	vmul.f32 v9, v0;
	[tilespmem:s31+$0x30] =	vst v2  }
0xd7: {  	v53 =	vld [tilespmem:s31+$0xD0];
	v54 =	vmul.f32 v48, v1;
	[tilespmem:s31+$0x40] =	vst v3  }
0xd8: {  	v55 =	vld [tilespmem:s31+$0xE0];
	v6 =	vmul.f32 v49, v1;
	[tilespmem:s31+$0x50] =	vst v9  }
0xd9: {  	v56 =	vld [tilespmem:s31+$0xF0];
	v57 =	vmul.f32 v50, v1;
	[tilespmem:s0+$0x80] =	vst v54  }
0xda: {  	v47 =	vld [tilespmem:s31+$0x60];
	v58 =	vmul.f32 v51, v1;
	[tilespmem:s0+$0x90] =	vst v6  }
0xdb: {  	v59 =	vmul.f32 v10, v1;
	[tilespmem:s0+$0xA0] =	vst v57  }
0xdc: {  	v60 =	vmul.f32 v53, v1;
	[tilespmem:s0+$0xB0] =	vst v58  }
0xdd: {  	v61 =	vmul.f32 v55, v1;
	[tilespmem:s0+$0xC0] =	vst v59  }
0xde: {  	v62 =	vmul.f32 v56, v1;
	[tilespmem:s0+$0xD0] =	vst v60  }
0xdf: {  	v52 =	vmul.f32 v47, v0;
	[tilespmem:s0+$0xE0] =	vst v61  }
0xe0: {  	[tilespmem:s0+$0xF0] =	vst v62  }
0xe1: {  	[tilespmem:s0+$0x60] =	vst v52  }
0xe2: {  	v0 =	vld [tilespmem:s30+$0x2780]  }
0xe3: {  	v1 =	vld [tilespmem:s29+$0x27E0]  }
0xe4: {  	s31 =	sand.u32 $0x3FE0, s29;
	v2 =	vld [tilespmem:s29+$0x27F0]  }
0xe5: {  	v3 =	vld [tilespmem:s31+$0x2800]  }
0xe6: {  	v4 =	vld [tilespmem:s29+$0x2810]  }
0xe7: {  	[tilespmem:$0x7700] =	vst v0  }
0xe8: {  	[tilespmem:$0x7710] =	vst v1  }
0xe9: {  	s28 =	sadd.s32 $0x1, s28;
	[tilespmem:$0x7720] =	vst v2  }
0xea: {  	p1 =	sne.s32 s28, $0x3E;
	[tilespmem:$0x7730] =	vst v3  }
.Ltmp2:
0xeb: {  	[tilespmem:$0x7740] =	vst v4;
	(pc) =	sbr.rel @p1 .LBB2_2-.Ltmp2, $4  }
0xec: {  	[spmem:s3] =	stream.indirect.scatter.add.f32 [tilespmem:s19], [sflag:$0x3], $0x80, s23, s17, $0xb8;
	v63 =	vld [tilespmem:$0x0]  }
0xed: {  	_ =	swait.ge [sflag:s11], $0x2800  }
0xee: {  	[sflag:s11] =	ssyncset.done $0x0  }
0xef: {  	s26 =	sadd.s32 $0xA0, s26;
	[sflag:s11] =	ssyncadd.s32 $0xFFFFD800  }
0xf0: {  	s0 =	simm.s32 $0x26C0  }
0xf1: {  	s29 =	simm.s32 $0x26C2;
	v0 =	vmov s0  }
0xf2: {  	v1 =	vmov s29;
	v0 =	vand.u32 $0xFFFFFFFC, v0  }
0xf3: {  	v1 =	vand.u32 $0xFFFFFFFE, v1;
	v0 =	vbroadcast v0, $0x0  }
0xf4: {  	v1 =	vbroadcast v1, $0x0  }
0xf5: {  	_ =	swait.ge [sflag:s20], $0x2800  }
0xf6: {  	[sflag:s20] =	ssyncset.done $0x0  }
0xf7: {  	s26 =	simm.s32 $0x7880;
	[sflag:s20] =	ssyncadd.s32 $0xFFFFD800  }
0xf8: {  	v3 =	vld [tilespmem:s26+$0x70]  }
0xf9: {  	s30 =	simm.s32 $0x26C1;
	v2 =	vld.idx.msk [tilespmem:v0+s13+$0x0], $0xffff  }
0xfa: {  	v0 =	vld.idx.msk [tilespmem:v1+s13+$0x0], $0xffff;
	v1 =	vmov s30  }
0xfb: {  	v4 =	vld [tilespmem:s26+$0xFFFFFF00];
	v1 =	vand.u32 $0xFFFFFFFD, v1  }
0xfc: {  	v5 =	vld [tilespmem:s26+$0xFFFFFF10];
	v1 =	vbroadcast v1, $0x0  }
0xfd: {  	v6 =	vld [tilespmem:s26+$0xFFFFFF20]  }
0xfe: {  	v7 =	vld [tilespmem:s26+$0xFFFFFF30]  }
0xff: {  	v8 =	vld [tilespmem:s26+$0xFFFFFF40]  }
0x100: {  	v9 =	vld [tilespmem:s26+$0xFFFFFF50]  }
0x101: {  	v10 =	vld [tilespmem:s26+$0xFFFFFF60];
	v4 =	vmul.f32 v4, v2  }
0x102: {  	v11 =	vld.idx.msk [tilespmem:v1+s13+$0x0], $0xffff;
	v1 =	vmul.f32 v3, v0  }
0x103: {  	[tilespmem:s26+$0xFFFFFF00] =	vst v4;
	v4 =	vld [tilespmem:s26+$0xFFFFFF70];
	v3 =	vmul.f32 v5, v2  }
0x104: {  	v5 =	vld [tilespmem:s26+$0xFFFFFF80];
	[tilespmem:s26+$0x70] =	vst v1;
	v1 =	vmul.f32 v6, v2  }
0x105: {  	s31 =	simm.s32 $0x26C3;
	[tilespmem:s26+$0xFFFFFF10] =	vst v3;
	v3 =	vmul.f32 v7, v2;
	v6 =	vld [tilespmem:s26+$0xFFFFFF90]  }
0x106: {  	v7 =	vmov s31;
	[tilespmem:s26+$0xFFFFFF20] =	vst v1;
	v1 =	vmul.f32 v8, v2;
	v8 =	vld [tilespmem:s26+$0xFFFFFFA0]  }
0x107: {  	[tilespmem:s26+$0xFFFFFF30] =	vst v3;
	v3 =	vmul.f32 v9, v2;
	v9 =	vld [tilespmem:s26+$0xFFFFFFB0]  }
0x108: {  	[tilespmem:s26+$0xFFFFFF40] =	vst v1;
	v1 =	vmul.f32 v10, v2;
	v10 =	vld [tilespmem:s26+$0xFFFFFFC0]  }
0x109: {  	[tilespmem:s26+$0xFFFFFF50] =	vst v3;
	v3 =	vmul.f32 v5, v11;
	v5 =	vld [tilespmem:s26+$0xFFFFFFD0]  }
0x10a: {  	v2 =	vmul.f32 v4, v2;
	v4 =	vld [tilespmem:s26+$0xFFFFFFE0];
	[tilespmem:s26+$0xFFFFFF60] =	vst v1  }
0x10b: {  	v6 =	vmul.f32 v6, v11;
	v1 =	vld.idx.msk [tilespmem:v7+s13+$0x0], $0xffff;
	[tilespmem:s26+$0xFFFFFF80] =	vst v3  }
0x10c: {  	[tilespmem:s26+$0xFFFFFF70] =	vst v2;
	v7 =	vld [tilespmem:s26+$0xFFFFFFF0];
	v2 =	vmul.f32 v8, v11  }
0x10d: {  	[tilespmem:s26+$0xFFFFFF90] =	vst v6;
	v3 =	vmul.f32 v9, v11;
	v9 =	vld [tilespmem:s26+$0x0]  }
0x10e: {  	v6 =	vld [tilespmem:s26+$0x10];
	[tilespmem:s26+$0xFFFFFFA0] =	vst v2;
	v2 =	vmul.f32 v10, v11  }
0x10f: {  	[tilespmem:s26+$0xFFFFFFB0] =	vst v3;
	v3 =	vmul.f32 v5, v11;
	v5 =	vld [tilespmem:s26+$0x20]  }
0x110: {  	[tilespmem:s26+$0xFFFFFFC0] =	vst v2;
	v2 =	vmul.f32 v4, v11;
	v4 =	vld [tilespmem:s26+$0x30]  }
0x111: {  	[tilespmem:s26+$0xFFFFFFD0] =	vst v3;
	v3 =	vld [tilespmem:s26+$0x40];
	v8 =	vmul.f32 v7, v11  }
0x112: {  	s1 =	simm.s32 $0x0;
	s0 =	simm.s32 $0x7880;
	v7 =	vmul.f32 v9, v0;
	[tilespmem:s26+$0xFFFFFFE0] =	vst v2;
	v2 =	vld [tilespmem:s26+$0x50]  }
.LBB2_8:
0x113: {  	s2 =	sadd.s32 $0x26C7, s1;
	[tilespmem:s26+$0xFFFFFFF0] =	vst v8;
	v6 =	vmul.f32 v6, v0;
	v8 =	vld [tilespmem:s26+$0x60]  }
0x114: {  	s6 =	sadd.s32 $0x26C4, s1;
	s12 =	sadd.s32 $0x26C5, s1;
	v9 =	vmov s2;
	[tilespmem:s26+$0x0] =	vst v7;
	v5 =	vmul.f32 v5, v0;
	v7 =	vld [tilespmem:s26+$0x80]  }
0x115: {  	v10 =	vmov s6;
	v11 =	vmov s12;
	[tilespmem:s26+$0x10] =	vst v6;
	v4 =	vmul.f32 v4, v0;
	v6 =	vld [tilespmem:s26+$0x90]  }
0x116: {  	s2 =	sadd.s32 $0x26C6, s1;
	s1 =	sadd.s32 $0x4, s1;
	v10 =	vand.u32 $0xFFFFFFFC, v10;
	v11 =	vand.u32 $0xFFFFFFFD, v11;
	[tilespmem:s26+$0x20] =	vst v5;
	v3 =	vmul.f32 v3, v0;
	v5 =	vld [tilespmem:s26+$0xA0]  }
0x117: {  	v12 =	vmov s2;
	p1 =	slt.u32 s1, $0x4C;
	v10 =	vbroadcast v10, $0x0;
	[tilespmem:s26+$0x30] =	vst v4;
	v2 =	vmul.f32 v2, v0;
	v4 =	vld [tilespmem:s26+$0xB0]  }
0x118: {  	v11 =	vbroadcast v11, $0x0;
	v12 =	vand.u32 $0xFFFFFFFE, v12;
	[tilespmem:s26+$0x40] =	vst v3;
	v0 =	vmul.f32 v8, v0;
	v3 =	vld [tilespmem:s26+$0xC0]  }
0x119: {  	v8 =	vbroadcast v12, $0x0;
	[tilespmem:s26+$0x50] =	vst v2;
	v2 =	vmul.f32 v7, v1;
	v7 =	vld [tilespmem:s26+$0xD0]  }
0x11a: {  	[tilespmem:s26+$0x60] =	vst v0;
	v0 =	vmul.f32 v6, v1;
	v6 =	vld [tilespmem:s26+$0xE0]  }
0x11b: {  	[tilespmem:s26+$0x80] =	vst v2;
	v2 =	vmul.f32 v5, v1;
	v5 =	vld [tilespmem:s26+$0xF0]  }
0x11c: {  	v9 =	vld.idx.msk [tilespmem:v9+s13+$0x0], $0xffff;
	[tilespmem:s26+$0x90] =	vst v0;
	v0 =	vmul.f32 v4, v1  }
0x11d: {  	v4 =	vld.idx.msk [tilespmem:v10+s13+$0x0], $0xffff;
	[tilespmem:s26+$0xA0] =	vst v2;
	v2 =	vmul.f32 v3, v1  }
0x11e: {  	v3 =	vld.idx.msk [tilespmem:v11+s13+$0x0], $0xffff;
	[tilespmem:s26+$0xB0] =	vst v0;
	v7 =	vmul.f32 v7, v1  }
0x11f: {  	s26 =	sadd.s32 $0x200, s26;
	v0 =	vld.idx.msk [tilespmem:v8+s13+$0x0], $0xffff;
	[tilespmem:s0+$0xC0] =	vst v2;
	v2 =	vmul.f32 v6, v1  }
0x120: {  	v6 =	vld [tilespmem:s26+$0x70];
	[tilespmem:s0+$0xD0] =	vst v7;
	v7 =	vmul.f32 v5, v1  }
0x121: {  	v5 =	vld [tilespmem:s26+$0xFFFFFF00];
	[tilespmem:s0+$0xE0] =	vst v2  }
0x122: {  	v1 =	vmov v9;
	v2 =	vld [tilespmem:s26+$0xFFFFFF10];
	[tilespmem:s0+$0xF0] =	vst v7;
	s0 =	smov.u32 s26  }
0x123: {  	v7 =	vld [tilespmem:s26+$0xFFFFFF20]  }
0x124: {  	v8 =	vld [tilespmem:s26+$0xFFFFFF30]  }
0x125: {  	v9 =	vld [tilespmem:s26+$0xFFFFFF40];
	v6 =	vmul.f32 v6, v0  }
0x126: {  	v5 =	vmul.f32 v5, v4;
	v10 =	vld [tilespmem:s26+$0xFFFFFF50]  }
0x127: {  	v2 =	vmul.f32 v2, v4;
	v11 =	vld [tilespmem:s26+$0xFFFFFF60];
	[tilespmem:s26+$0x70] =	vst v6  }
0x128: {  	[tilespmem:s26+$0xFFFFFF00] =	vst v5;
	v5 =	vmul.f32 v7, v4;
	v6 =	vld [tilespmem:s26+$0xFFFFFF70]  }
0x129: {  	[tilespmem:s26+$0xFFFFFF10] =	vst v2;
	v2 =	vmul.f32 v8, v4;
	v7 =	vld [tilespmem:s26+$0xFFFFFF80]  }
0x12a: {  	[tilespmem:s26+$0xFFFFFF20] =	vst v5;
	v5 =	vmul.f32 v9, v4;
	v8 =	vld [tilespmem:s26+$0xFFFFFF90]  }
0x12b: {  	[tilespmem:s26+$0xFFFFFF30] =	vst v2;
	v2 =	vmul.f32 v10, v4;
	v9 =	vld [tilespmem:s26+$0xFFFFFFA0]  }
0x12c: {  	[tilespmem:s26+$0xFFFFFF40] =	vst v5;
	v5 =	vmul.f32 v11, v4;
	v10 =	vld [tilespmem:s26+$0xFFFFFFB0]  }
0x12d: {  	[tilespmem:s26+$0xFFFFFF50] =	vst v2;
	v2 =	vmul.f32 v6, v4;
	v4 =	vld [tilespmem:s26+$0xFFFFFFC0]  }
0x12e: {  	[tilespmem:s26+$0xFFFFFF60] =	vst v5;
	v5 =	vmul.f32 v7, v3;
	v7 =	vld [tilespmem:s26+$0xFFFFFFD0]  }
0x12f: {  	[tilespmem:s26+$0xFFFFFF70] =	vst v2;
	v2 =	vmul.f32 v8, v3;
	v8 =	vld [tilespmem:s26+$0xFFFFFFE0]  }
0x130: {  	[tilespmem:s26+$0xFFFFFF80] =	vst v5;
	v5 =	vmul.f32 v9, v3;
	v9 =	vld [tilespmem:s26+$0xFFFFFFF0]  }
0x131: {  	[tilespmem:s26+$0xFFFFFF90] =	vst v2;
	v2 =	vmul.f32 v10, v3;
	v10 =	vld [tilespmem:s26+$0x0]  }
.Ltmp3:
0x132: {  	[tilespmem:s26+$0xFFFFFFA0] =	vst v5;
	v4 =	vmul.f32 v4, v3;
	v6 =	vld [tilespmem:s26+$0x10];
	(pc) =	sbr.rel @p1 .LBB2_8-.Ltmp3, $4  }
0x133: {  	[tilespmem:s26+$0xFFFFFFB0] =	vst v2;
	v2 =	vmul.f32 v7, v3;
	v5 =	vld [tilespmem:s26+$0x20]  }
0x134: {  	[tilespmem:s26+$0xFFFFFFC0] =	vst v4;
	v7 =	vmul.f32 v8, v3;
	v4 =	vld [tilespmem:s26+$0x30]  }
0x135: {  	[tilespmem:s26+$0xFFFFFFD0] =	vst v2;
	v8 =	vmul.f32 v9, v3;
	v3 =	vld [tilespmem:s26+$0x40]  }
0x136: {  	[tilespmem:s26+$0xFFFFFFE0] =	vst v7;
	v7 =	vmul.f32 v10, v0;
	v2 =	vld [tilespmem:s26+$0x50]  }
0x137: {  	[tilespmem:s26+$0xFFFFFFF0] =	vst v8;
	v6 =	vmul.f32 v6, v0;
	v46 =	vld [tilespmem:s26+$0x80]  }
0x138: {  	v9 =	vld [tilespmem:s26+$0x60];
	[tilespmem:s26+$0x0] =	vst v7;
	v5 =	vmul.f32 v5, v0  }
0x139: {  	v47 =	vld [tilespmem:s26+$0x90];
	[tilespmem:s26+$0x10] =	vst v6;
	v4 =	vmul.f32 v4, v0  }
0x13a: {  	v48 =	vld [tilespmem:s26+$0xA0];
	[tilespmem:s26+$0x20] =	vst v5;
	v3 =	vmul.f32 v3, v0  }
0x13b: {  	v49 =	vld [tilespmem:s26+$0xB0];
	[tilespmem:s26+$0x30] =	vst v4;
	v2 =	vmul.f32 v2, v0  }
0x13c: {  	v50 =	vld [tilespmem:s26+$0xC0];
	[tilespmem:s26+$0x40] =	vst v3;
	v51 =	vmul.f32 v46, v1  }
0x13d: {  	v52 =	vld [tilespmem:s26+$0xD0];
	v53 =	vmul.f32 v9, v0;
	[tilespmem:s26+$0x50] =	vst v2  }
0x13e: {  	v54 =	vld [tilespmem:s26+$0xE0];
	v7 =	vmul.f32 v47, v1;
	[tilespmem:s26+$0x80] =	vst v51  }
0x13f: {  	v56 =	vld [tilespmem:s26+$0xF0];
	v55 =	vmul.f32 v48, v1;
	[tilespmem:s26+$0x60] =	vst v53  }
0x140: {  	v5 =	vmul.f32 v49, v1;
	[tilespmem:s26+$0x90] =	vst v7  }
0x141: {  	v57 =	vmul.f32 v50, v1;
	[tilespmem:s26+$0xA0] =	vst v55  }
0x142: {  	v58 =	vmul.f32 v52, v1;
	[tilespmem:s26+$0xB0] =	vst v5  }
0x143: {  	v59 =	vmul.f32 v54, v1;
	[tilespmem:s0+$0xC0] =	vst v57  }
0x144: {  	v60 =	vmul.f32 v56, v1;
	[tilespmem:s0+$0xD0] =	vst v58  }
0x145: {  	[tilespmem:s0+$0xE0] =	vst v59  }
0x146: {  	[tilespmem:s0+$0xF0] =	vst v60  }
0x147: {  	v0 =	vld [tilespmem:$0x4E40]  }
0x148: {  	v1 =	vld [tilespmem:$0x4E50]  }
0x149: {  	v61 =	vld [tilespmem:$0x4E60]  }
0x14a: {  	v62 =	vld [tilespmem:$0x4E70]  }
0x14b: {  	v4 =	vld [tilespmem:$0x4E80]  }
0x14c: {  	[tilespmem:$0x7680] =	vst v0  }
0x14d: {  	[tilespmem:$0x7690] =	vst v1  }
0x14e: {  	[tilespmem:$0x76A0] =	vst v61  }
0x14f: {  	[tilespmem:$0x76B0] =	vst v62  }
0x150: {  	[tilespmem:$0x76C0] =	vst v4  }
0x151: {  	[spmem:s3] =	stream.indirect.scatter.add.f32 [tilespmem:s18], [sflag:$0x3], $0x80, s21, s17, $0xb8;
	v63 =	vld [tilespmem:$0x0]  }
0x152: {  	_ =	swait.ge [sflag:s11], $0x2800  }
0x153: {  	[sflag:s11] =	ssyncset.done $0x0  }
0x154: {  	[sflag:s11] =	ssyncadd.s32 $0xFFFFD800  }
0x155: {  	[bflag:$0x0] =	sbarrier.arrive $0xFFFF  }
0x156: {  	[hbm:s24], [sflag:s14] =	dma.local [spmem:s15], $0x2700  }
0x157: {  	_ =	swait.ge [sflag:s11], $0x2700  }
0x158: {  	s25 =	sadd.s32 $0x1, s25;
	[sflag:s11] =	ssyncset.done $0x0  }
0x159: {  	p1 =	sne.s32 s25, s10;
	s0 =	sadd.s32 @!p0 $0x27000, s9;
	[sflag:s11] =	ssyncadd.s32 $0xFFFFD900  }
0x15a: {  	[hbm:s0], [sflag:s14] =	dma.local @!p0 [spmem:s16], $0x100  }
.Ltmp4:
0x15b: {  	_ = 	snop;
	(pc) =	sbr.rel @p1 .LBB2_1-.Ltmp4, $4  }
0x15c: {  	s0 =	simm.s32 @!p0 $0x3  }
0x15d: {  	_ =	swait.ge @!p0 [sflag:s0], $0x100  }
0x15e: {  	[sflag:s0] =	ssyncset.done @!p0 $0x0  }
0x15f: {  	[sflag:s0] =	ssyncadd.s32 @!p0 $0xFFFFFF00  }
0x160: {  	_ =	sfence.sel $0x180000  }
0x161: {  	[bflag:$0x0] =	sbarrier.arrive $0xFFFF  }
0x162: {  	_ =	strace $0x90000047  }
0x163: {  	s0 =	stileid.u32;
	[bflag:$0x2] =	sbarrier.arrive $0xFFFF  }
0x164: {  	p0 =	sne.s32 s0, $0x0;
	s0 =	rddreg [dreg:$0x4]  }
0x165: {  	s0 =	sadd.s32 @!p0 $0x100000, s0  }
0x166: {  	[sflag:s0] =	ssyncadd.tile.s32 @!p0 $0x1;
	_ =	shalt  }
.Lfunc_end2:
_tile_overlayer_lowered:
.L_overlay_start_2:
0x167: {  	(tag) =	ssettag $0x2  }
0x168: {  	s0 =	rddreg [dreg:$0x0];
	s2 =	stileid.u32  }
0x169: {  	s1 =	rddreg [dreg:$0x1];
	p0 =	sne.s32 s2, $0x0  }
0x16a: {  	s3 =	rddreg [dreg:$0x2];
	[bflag:$0x3] =	sbarrier.arrive $0xFFFF;
	s2 =	simm.s32 @!p0 $0x1C03  }
0x16b: {  	[timem:s3], [sflag:s2] =	dma.local @!p0 [hbm:s0], s1  }
0x16c: {  	s0 =	simm.s32 @!p0 $0x3  }
0x16d: {  	_ =	swait.ge @!p0 [sflag:s0], s1  }
0x16e: {  	s1 =	ssub.s32 @!p0 $0x0, s1;
	[sflag:s0] =	ssyncset.done @!p0 $0x0  }
0x16f: {  	[sflag:s0] =	ssyncadd.s32 @!p0 s1  }
0x170: {  	[bflag:$0x3] =	sbarrier.arrive $0xFFFF  }
0x171: {  	_ =	shalt  }

</sc_bundles>
